<compile_context>
chip_gen: v7x
topology: tpu7x:2x2x1
jax: 0.10.2.dev20260603
libtpu: 0.0.44.dev20260713+nightly
codegen_flags: <defaults>
</compile_context>

<pallas_src>
import jax
import jax.numpy as jnp
from jax import lax
from jax.experimental import pallas as pl
from jax.experimental.pallas import tpu as pltpu
from jax.experimental.pallas import tpu_sc as plsc

_HIST = 4096
_D = 16384
_B = 64
_NC = 2
_NS = 16
_NW = _NC * _NS
_RPW = _B // _NW
_L = 16
_NCH = 4
_CH = _D // _NCH


def _sc_body(fake_hbm, hist_hbm, mask_hbm, idx_hbm, out_hbm,
             idx_v, mask_v, buf_v, sem0, sem1, osem0, osem1, isem):
    wid = lax.axis_index("s") * _NC + lax.axis_index("c")
    stage_i = pltpu.async_copy(idx_hbm, idx_v, isem)
    stage_m = pltpu.async_copy(mask_hbm, mask_v, isem)
    stage_i.wait()
    stage_m.wait()

    jv0 = lax.iota(jnp.int32, _L)
    neg1 = jnp.full((_L,), -1, jnp.int32)
    sems = (sem0, sem1)
    osems = (osem0, osem1)

    for r in range(_RPW):
        i = wid * _RPW + r

        bi = jnp.full((_L,), i, jnp.int32)
        gidx = plsc.load_gather(idx_v, [bi])
        gmask = plsc.load_gather(mask_v, [bi])
        idx_i = jnp.max(gidx)
        mask_i = jnp.max(gmask)

        def _chain(k, acc):
            jv = jv0 + k * _L
            idx_blk = idx_v[pl.ds(k * _L, _L)]
            mask_blk = mask_v[pl.ds(k * _L, _L)]
            hit = (idx_blk == gidx) & (mask_blk == 1) & (jv < i)
            return jnp.maximum(acc, jnp.where(hit, jv, neg1))

        best = jnp.max(lax.fori_loop(0, _B // _L, _chain, neg1))

        use_hist = (mask_i == 1) & (best < 0)
        frow = jnp.where(mask_i == 1, jnp.maximum(best, 0), i)

        @pl.when(use_hist)
        def _():
            for c in range(_NCH):
                pltpu.async_copy(hist_hbm.at[idx_i, pl.ds(c * _CH, _CH)],
                                 buf_v.at[r, pl.ds(c * _CH, _CH)], sems[r])

        @pl.when(jnp.logical_not(use_hist))
        def _():
            for c in range(_NCH):
                pltpu.async_copy(fake_hbm.at[frow, pl.ds(c * _CH, _CH)],
                                 buf_v.at[r, pl.ds(c * _CH, _CH)], sems[r])

    for r in range(_RPW):
        i = wid * _RPW + r
        for c in range(_NCH):
            pltpu.make_async_copy(fake_hbm.at[0, pl.ds(0, _CH)],
                                  buf_v.at[r, pl.ds(c * _CH, _CH)],
                                  sems[r]).wait()
            pltpu.async_copy(buf_v.at[r, pl.ds(c * _CH, _CH)],
                             out_hbm.at[i, pl.ds(c * _CH, _CH)], osems[r])

    for r in range(_RPW):
        i = wid * _RPW + r
        for c in range(_NCH):
            pltpu.make_async_copy(buf_v.at[r, pl.ds(c * _CH, _CH)],
                                  out_hbm.at[i, pl.ds(c * _CH, _CH)],
                                  osems[r]).wait()


def kernel(fake, history, swap_mask, swap_idx):
    mesh = plsc.VectorSubcoreMesh(core_axis_name="c", subcore_axis_name="s")
    f = pl.kernel(
        _sc_body,
        out_type=jax.ShapeDtypeStruct((_B, _D), jnp.float32),
        mesh=mesh,
        compiler_params=pltpu.CompilerParams(needs_layout_passes=False),
        scratch_types=[
            pltpu.VMEM((_B,), jnp.int32),
            pltpu.VMEM((_B,), jnp.int32),
            pltpu.VMEM((_RPW, _D), jnp.float32),
            pltpu.SemaphoreType.DMA,
            pltpu.SemaphoreType.DMA,
            pltpu.SemaphoreType.DMA,
            pltpu.SemaphoreType.DMA,
            pltpu.SemaphoreType.DMA,
        ],
    )
    return f(fake, history, swap_mask, swap_idx)

# --- scband reference (transcript-rebuilt; emitter-appended) ---
"""Pipeline reference for scband-fake-history-71949292142880 (READ-ONLY COPY).

The authoritative reference and input builder live on the scoring server;
editing this copy changes nothing except your own understanding.
"""

import jax, jax.numpy as jnp
import numpy as np

HISTORY_SIZE = 4096
D = 16384
B = 64

def setup_inputs(seed: int = 0) -> dict:
    key = jax.random.key(seed)
    k1, k2, k3, k4 = jax.random.split(key, 4)
    fake = jax.random.normal(k1, (B, D), dtype=jnp.float32)
    # steady-state: buffer already full (actual_size == history_size)
    history = jax.random.normal(k2, (HISTORY_SIZE, D), dtype=jnp.float32)
    # swap_mask[i] == 1  <=>  random.uniform(0,1) < percentage (0.5)
    swap_mask = jax.random.randint(k3, (B,), 0, 2, dtype=jnp.int32)
    # swap_idx[i] == random.randint(1, history_size) - 1
    swap_idx = jax.random.randint(k4, (B,), 0, HISTORY_SIZE, dtype=jnp.int32)
    return {"fake": fake, "history": history, "swap_mask": swap_mask, "swap_idx": swap_idx}

def reference(fake, history, swap_mask, swap_idx):
    # Faithful sequential replay-buffer semantics (per-sample loop via lax.scan):
    # if swap: out[i] = history[idx]; history[idx] = detach(fake[i])
    # else:    out[i] = fake[i]
    hist0 = jax.lax.stop_gradient(history)  # buffer contents are detached clones

    def step(hist, inp):
        f, m, idx = inp
        tmp = hist[idx]                      # gather (row read)
        out_i = jnp.where(m == 1, tmp, f)
        write_val = jnp.where(m == 1, jax.lax.stop_gradient(f), tmp)
        new_hist = hist.at[idx].set(write_val)  # scatter-overwrite (row write)
        return new_hist, out_i

    _, out = jax.lax.scan(step, hist0, (fake, swap_mask, swap_idx))
    return out

if __name__ == "__main__":
    import jax
    _d = setup_inputs()
    print(jax.jit(kernel)(*tuple(_d.values())))

</pallas_src>

<mosaic_0001>
#map = affine_map<(d0, d1) -> (0, 0)>
#map1 = affine_map<(d0, d1) -> (0)>
module attributes {stable_mosaic.version = 14 : i64} {
  func.func @_sc_body(%arg0: i32, %arg1: i32, %arg2: memref<64x16384xf32, #tpu.memory_space<hbm>>, %arg3: memref<4096x16384xf32, #tpu.memory_space<hbm>>, %arg4: memref<64xi32, #tpu.memory_space<hbm>>, %arg5: memref<64xi32, #tpu.memory_space<hbm>>, %arg6: memref<64x16384xf32, #tpu.memory_space<hbm>>, %arg7: memref<64xi32, #tpu.memory_space<vmem>>, %arg8: memref<64xi32, #tpu.memory_space<vmem>>, %arg9: memref<2x16384xf32, #tpu.memory_space<vmem>>, %arg10: memref<!tpu.dma_semaphore, #tpu.memory_space<semaphore_mem>>, %arg11: memref<!tpu.dma_semaphore, #tpu.memory_space<semaphore_mem>>, %arg12: memref<!tpu.dma_semaphore, #tpu.memory_space<semaphore_mem>>, %arg13: memref<!tpu.dma_semaphore, #tpu.memory_space<semaphore_mem>>, %arg14: memref<!tpu.dma_semaphore, #tpu.memory_space<semaphore_mem>>) attributes {dimension_semantics = [#tpu.dimension_semantics<core_parallel>, #tpu.dimension_semantics<subcore_parallel>], iteration_bounds = array<i64: 2, 16>, scalar_prefetch = 0 : i64, scratch_operands = 8 : i64, tpu.core_type = #tpu.core_type<sc_vector_subcore>, window_params = [{transform_indices = #map}, {transform_indices = #map}, {transform_indices = #map1}, {transform_indices = #map1}, {transform_indices = #map}]} {
    %mul3A = arith.constant 2 : i32
    %mul3A_0 = arith.muli %arg1, %mul3A : i32
    %add3A = arith.addi %mul3A_0, %arg0 : i32
    tpu.enqueue_dma source(%arg5 : memref<64xi32, #tpu.memory_space<hbm>>) target(%arg7 : memref<64xi32, #tpu.memory_space<vmem>>) target_semaphore(%arg14 : memref<!tpu.dma_semaphore, #tpu.memory_space<semaphore_mem>>)
    tpu.enqueue_dma source(%arg4 : memref<64xi32, #tpu.memory_space<hbm>>) target(%arg8 : memref<64xi32, #tpu.memory_space<vmem>>) target_semaphore(%arg14 : memref<!tpu.dma_semaphore, #tpu.memory_space<semaphore_mem>>)
    tpu.wait_dma2 semaphore(%arg14 : memref<!tpu.dma_semaphore, #tpu.memory_space<semaphore_mem>>) src(%arg5 : memref<64xi32, #tpu.memory_space<hbm>>) dst(%arg7 : memref<64xi32, #tpu.memory_space<vmem>>)
    tpu.wait_dma2 semaphore(%arg14 : memref<!tpu.dma_semaphore, #tpu.memory_space<semaphore_mem>>) src(%arg4 : memref<64xi32, #tpu.memory_space<hbm>>) dst(%arg8 : memref<64xi32, #tpu.memory_space<vmem>>)
    %iota3A = tpu.iota {dimensions = array<i32: 0>} : vector<16xi32>
    %broadcast_in_dim3A = arith.constant -1 : i32
    %broadcast_in_dim3A_1 = vector.broadcast %broadcast_in_dim3A : i32 to vector<16xi32>
    %mul3A_2 = arith.constant 2 : i32
    %mul3A_3 = arith.muli %add3A, %mul3A_2 : i32
    %add3A_4 = arith.constant 0 : i32
    %add3A_5 = arith.addi %mul3A_3, %add3A_4 : i32
    %broadcast_in_dim3A_6 = vector.broadcast %add3A_5 : i32 to vector<16xi32>
    %gather3A = tpu.vector_load_idx %arg7[%broadcast_in_dim3A_6] : memref<64xi32, #tpu.memory_space<vmem>>[vector<16xi32>], vector<16xi32>,
    %gather3A_7 = tpu.vector_load_idx %arg8[%broadcast_in_dim3A_6] : memref<64xi32, #tpu.memory_space<vmem>>[vector<16xi32>], vector<16xi32>,
    %reduce_max3A = arith.constant true
    %reduce_max3A_8 = vector.broadcast %reduce_max3A : i1 to vector<16xi1>
    %reduce_max3A_9 = arith.constant -2147483648 : i32
    %reduce_max3A_10 = vector.broadcast %reduce_max3A_9 : i32 to vector<16xi32>
    %reduce_max3A_11 = arith.xori %gather3A, %reduce_max3A_10 : vector<16xi32>
    %reduce_max3A_12 = tpu.scan <max>, %reduce_max3A_11 masked %reduce_max3A_8 : vector<16xi32>, vector<16xi1> -> vector<16xi32>
    %reduce_max3A_13 = arith.xori %reduce_max3A_12, %reduce_max3A_10 : vector<16xi32>
    %reduce_max3A_14 = vector.extract %reduce_max3A_13[15] : i32 from vector<16xi32>
    %reduce_max3A_15 = arith.constant true
    %reduce_max3A_16 = vector.broadcast %reduce_max3A_15 : i1 to vector<16xi1>
    %reduce_max3A_17 = arith.constant -2147483648 : i32
    %reduce_max3A_18 = vector.broadcast %reduce_max3A_17 : i32 to vector<16xi32>
    %reduce_max3A_19 = arith.xori %gather3A_7, %reduce_max3A_18 : vector<16xi32>
    %reduce_max3A_20 = tpu.scan <max>, %reduce_max3A_19 masked %reduce_max3A_16 : vector<16xi32>, vector<16xi1> -> vector<16xi32>
    %reduce_max3A_21 = arith.xori %reduce_max3A_20, %reduce_max3A_18 : vector<16xi32>
    %reduce_max3A_22 = vector.extract %reduce_max3A_21[15] : i32 from vector<16xi32>
    %scan3A = arith.constant 0 : i32
    %scan3A_23 = arith.constant 4 : i32
    %scan3A_24 = arith.addi %scan3A, %scan3A_23 : i32
    %scan3A_25 = arith.constant 1 : i32
    %scan3A_26 = scf.for %scan3A_435 = %scan3A to %scan3A_24 step %scan3A_25 iter_args(%scan3A_436 = %broadcast_in_dim3A_1) -> (vector<16xi32>)  : i32 {
      %mul3A_437 = arith.constant 16 : i32
      %mul3A_438 = arith.muli %scan3A_435, %mul3A_437 : i32
      %add3A_439 = vector.broadcast %mul3A_438 : i32 to vector<16xi32>
      %add3A_440 = arith.addi %iota3A, %add3A_439 : vector<16xi32>
      %mul3A_441 = arith.constant 16 : i32
      %mul3A_442 = arith.muli %scan3A_435, %mul3A_441 : i32
      %get3A = arith.index_cast %mul3A_442 : i32 to index
      %get3A_443 = tpu.vector_load %arg7[%get3A] {strides = array<i32>} : memref<64xi32, #tpu.memory_space<vmem>>, vector<16xi32>,
      %mul3A_444 = arith.constant 16 : i32
      %mul3A_445 = arith.muli %scan3A_435, %mul3A_444 : i32
      %get3A_446 = arith.index_cast %mul3A_445 : i32 to index
      %get3A_447 = tpu.vector_load %arg8[%get3A_446] {strides = array<i32>} : memref<64xi32, #tpu.memory_space<vmem>>, vector<16xi32>,
      %eq3A_448 = arith.cmpi eq, %get3A_443, %gather3A : vector<16xi32>
      %eq3A_449 = arith.constant 1 : i32
      %eq3A_450 = vector.broadcast %eq3A_449 : i32 to vector<16xi32>
      %eq3A_451 = arith.cmpi eq, %get3A_447, %eq3A_450 : vector<16xi32>
      %and3A_452 = arith.andi %eq3A_448, %eq3A_451 : vector<16xi1>
      %lt3A_453 = vector.broadcast %add3A_5 : i32 to vector<16xi32>
      %lt3A_454 = arith.cmpi slt, %add3A_440, %lt3A_453 : vector<16xi32>
      %and3A_455 = arith.andi %and3A_452, %lt3A_454 : vector<16xi1>
      %select_n3A_456 = arith.select %and3A_455, %add3A_440, %broadcast_in_dim3A_1 : vector<16xi1>, vector<16xi32>
      %max3A_457 = arith.maxsi %scan3A_436, %select_n3A_456 : vector<16xi32>
      scf.yield %max3A_457 : vector<16xi32>
    }
    %scan3A_27 = arith.constant 4 : i32
    %reduce_max3A_28 = arith.constant true
    %reduce_max3A_29 = vector.broadcast %reduce_max3A_28 : i1 to vector<16xi1>
    %reduce_max3A_30 = arith.constant -2147483648 : i32
    %reduce_max3A_31 = vector.broadcast %reduce_max3A_30 : i32 to vector<16xi32>
    %reduce_max3A_32 = arith.xori %scan3A_26, %reduce_max3A_31 : vector<16xi32>
    %reduce_max3A_33 = tpu.scan <max>, %reduce_max3A_32 masked %reduce_max3A_29 : vector<16xi32>, vector<16xi1> -> vector<16xi32>
    %reduce_max3A_34 = arith.xori %reduce_max3A_33, %reduce_max3A_31 : vector<16xi32>
    %reduce_max3A_35 = vector.extract %reduce_max3A_34[15] : i32 from vector<16xi32>
    %eq3A = arith.constant 1 : i32
    %eq3A_36 = arith.cmpi eq, %reduce_max3A_22, %eq3A : i32
    %lt3A = arith.constant 0 : i32
    %lt3A_37 = arith.cmpi slt, %reduce_max3A_35, %lt3A : i32
    %and3A = arith.andi %eq3A_36, %lt3A_37 : i1
    %eq3A_38 = arith.constant 1 : i32
    %eq3A_39 = arith.cmpi eq, %reduce_max3A_22, %eq3A_38 : i32
    %max3A = arith.constant 0 : i32
    %max3A_40 = arith.maxsi %reduce_max3A_35, %max3A : i32
    %select_n3A = arith.select %eq3A_39, %max3A_40, %add3A_5 : i32
    %convert_element_type3A = arith.extui %and3A : i1 to i32
    %cond3A = arith.constant 0 : i32
    %cond3A_41 = arith.cmpi ne, %convert_element_type3A, %cond3A : i32
    scf.if %cond3A_41 {
      %dma_start3A_435 = arith.constant 0 : i32
      %dma_start3A_436 = arith.constant 0 : i32
      %dma_start3A_437 = tpu.memref_slice %arg9[%dma_start3A_435, %dma_start3A_436] : memref<2x16384xf32, #tpu.memory_space<vmem>> -> memref<1x4096xf32, #tpu.memory_space<vmem>>
      %dma_start3A_438 = tpu.memref_squeeze %dma_start3A_437 : memref<1x4096xf32, #tpu.memory_space<vmem>> -> memref<4096xf32, #tpu.memory_space<vmem>>
      %dma_start3A_439 = arith.constant 0 : i32
      %dma_start3A_440 = tpu.memref_slice %arg3[%reduce_max3A_14, %dma_start3A_439] : memref<4096x16384xf32, #tpu.memory_space<hbm>> -> memref<1x4096xf32, #tpu.memory_space<hbm>>
      %dma_start3A_441 = tpu.memref_squeeze %dma_start3A_440 : memref<1x4096xf32, #tpu.memory_space<hbm>> -> memref<4096xf32, #tpu.memory_space<hbm>>
      %dma_start3A_442 = arith.constant 0 : i32
      %dma_start3A_443 = tpu.memref_slice %arg9[%dma_start3A_435, %dma_start3A_442] : memref<2x16384xf32, #tpu.memory_space<vmem>> -> memref<1x4096xf32, #tpu.memory_space<vmem>>
      %dma_start3A_444 = tpu.memref_squeeze %dma_start3A_443 : memref<1x4096xf32, #tpu.memory_space<vmem>> -> memref<4096xf32, #tpu.memory_space<vmem>>
      %dma_start3A_445 = arith.constant 0 : i32
      %dma_start3A_446 = tpu.memref_slice %arg3[%reduce_max3A_14, %dma_start3A_445] : memref<4096x16384xf32, #tpu.memory_space<hbm>> -> memref<1x4096xf32, #tpu.memory_space<hbm>>
      %dma_start3A_447 = tpu.memref_squeeze %dma_start3A_446 : memref<1x4096xf32, #tpu.memory_space<hbm>> -> memref<4096xf32, #tpu.memory_space<hbm>>
      tpu.enqueue_dma source(%dma_start3A_447 : memref<4096xf32, #tpu.memory_space<hbm>>) target(%dma_start3A_444 : memref<4096xf32, #tpu.memory_space<vmem>>) target_semaphore(%arg10 : memref<!tpu.dma_semaphore, #tpu.memory_space<semaphore_mem>>)
      %dma_start3A_448 = arith.constant 0 : i32
      %dma_start3A_449 = arith.constant 4096 : i32
      %dma_start3A_450 = tpu.memref_slice %arg9[%dma_start3A_448, %dma_start3A_449] : memref<2x16384xf32, #tpu.memory_space<vmem>> -> memref<1x4096xf32, #tpu.memory_space<vmem>>
      %dma_start3A_451 = tpu.memref_squeeze %dma_start3A_450 : memref<1x4096xf32, #tpu.memory_space<vmem>> -> memref<4096xf32, #tpu.memory_space<vmem>>
      %dma_start3A_452 = arith.constant 4096 : i32
      %dma_start3A_453 = tpu.memref_slice %arg3[%reduce_max3A_14, %dma_start3A_452] : memref<4096x16384xf32, #tpu.memory_space<hbm>> -> memref<1x4096xf32, #tpu.memory_space<hbm>>
      %dma_start3A_454 = tpu.memref_squeeze %dma_start3A_453 : memref<1x4096xf32, #tpu.memory_space<hbm>> -> memref<4096xf32, #tpu.memory_space<hbm>>
      %dma_start3A_455 = arith.constant 4096 : i32
      %dma_start3A_456 = tpu.memref_slice %arg9[%dma_start3A_448, %dma_start3A_455] : memref<2x16384xf32, #tpu.memory_space<vmem>> -> memref<1x4096xf32, #tpu.memory_space<vmem>>
      %dma_start3A_457 = tpu.memref_squeeze %dma_start3A_456 : memref<1x4096xf32, #tpu.memory_space<vmem>> -> memref<4096xf32, #tpu.memory_space<vmem>>
      %dma_start3A_458 = arith.constant 4096 : i32
      %dma_start3A_459 = tpu.memref_slice %arg3[%reduce_max3A_14, %dma_start3A_458] : memref<4096x16384xf32, #tpu.memory_space<hbm>> -> memref<1x4096xf32, #tpu.memory_space<hbm>>
      %dma_start3A_460 = tpu.memref_squeeze %dma_start3A_459 : memref<1x4096xf32, #tpu.memory_space<hbm>> -> memref<4096xf32, #tpu.memory_space<hbm>>
      tpu.enqueue_dma source(%dma_start3A_460 : memref<4096xf32, #tpu.memory_space<hbm>>) target(%dma_start3A_457 : memref<4096xf32, #tpu.memory_space<vmem>>) target_semaphore(%arg10 : memref<!tpu.dma_semaphore, #tpu.memory_space<semaphore_mem>>)
      %dma_start3A_461 = arith.constant 0 : i32
      %dma_start3A_462 = arith.constant 8192 : i32
      %dma_start3A_463 = tpu.memref_slice %arg9[%dma_start3A_461, %dma_start3A_462] : memref<2x16384xf32, #tpu.memory_space<vmem>> -> memref<1x4096xf32, #tpu.memory_space<vmem>>
      %dma_start3A_464 = tpu.memref_squeeze %dma_start3A_463 : memref<1x4096xf32, #tpu.memory_space<vmem>> -> memref<4096xf32, #tpu.memory_space<vmem>>
      %dma_start3A_465 = arith.constant 8192 : i32
      %dma_start3A_466 = tpu.memref_slice %arg3[%reduce_max3A_14, %dma_start3A_465] : memref<4096x16384xf32, #tpu.memory_space<hbm>> -> memref<1x4096xf32, #tpu.memory_space<hbm>>
      %dma_start3A_467 = tpu.memref_squeeze %dma_start3A_466 : memref<1x4096xf32, #tpu.memory_space<hbm>> -> memref<4096xf32, #tpu.memory_space<hbm>>
      %dma_start3A_468 = arith.constant 8192 : i32
      %dma_start3A_469 = tpu.memref_slice %arg9[%dma_start3A_461, %dma_start3A_468] : memref<2x16384xf32, #tpu.memory_space<vmem>> -> memref<1x4096xf32, #tpu.memory_space<vmem>>
      %dma_start3A_470 = tpu.memref_squeeze %dma_start3A_469 : memref<1x4096xf32, #tpu.memory_space<vmem>> -> memref<4096xf32, #tpu.memory_space<vmem>>
      %dma_start3A_471 = arith.constant 8192 : i32
      %dma_start3A_472 = tpu.memref_slice %arg3[%reduce_max3A_14, %dma_start3A_471] : memref<4096x16384xf32, #tpu.memory_space<hbm>> -> memref<1x4096xf32, #tpu.memory_space<hbm>>
      %dma_start3A_473 = tpu.memref_squeeze %dma_start3A_472 : memref<1x4096xf32, #tpu.memory_space<hbm>> -> memref<4096xf32, #tpu.memory_space<hbm>>
      tpu.enqueue_dma source(%dma_start3A_473 : memref<4096xf32, #tpu.memory_space<hbm>>) target(%dma_start3A_470 : memref<4096xf32, #tpu.memory_space<vmem>>) target_semaphore(%arg10 : memref<!tpu.dma_semaphore, #tpu.memory_space<semaphore_mem>>)
      %dma_start3A_474 = arith.constant 0 : i32
      %dma_start3A_475 = arith.constant 12288 : i32
      %dma_start3A_476 = tpu.memref_slice %arg9[%dma_start3A_474, %dma_start3A_475] : memref<2x16384xf32, #tpu.memory_space<vmem>> -> memref<1x4096xf32, #tpu.memory_space<vmem>>
      %dma_start3A_477 = tpu.memref_squeeze %dma_start3A_476 : memref<1x4096xf32, #tpu.memory_space<vmem>> -> memref<4096xf32, #tpu.memory_space<vmem>>
      %dma_start3A_478 = arith.constant 12288 : i32
      %dma_start3A_479 = tpu.memref_slice %arg3[%reduce_max3A_14, %dma_start3A_478] : memref<4096x16384xf32, #tpu.memory_space<hbm>> -> memref<1x4096xf32, #tpu.memory_space<hbm>>
      %dma_start3A_480 = tpu.memref_squeeze %dma_start3A_479 : memref<1x4096xf32, #tpu.memory_space<hbm>> -> memref<4096xf32, #tpu.memory_space<hbm>>
      %dma_start3A_481 = arith.constant 12288 : i32
      %dma_start3A_482 = tpu.memref_slice %arg9[%dma_start3A_474, %dma_start3A_481] : memref<2x16384xf32, #tpu.memory_space<vmem>> -> memref<1x4096xf32, #tpu.memory_space<vmem>>
      %dma_start3A_483 = tpu.memref_squeeze %dma_start3A_482 : memref<1x4096xf32, #tpu.memory_space<vmem>> -> memref<4096xf32, #tpu.memory_space<vmem>>
      %dma_start3A_484 = arith.constant 12288 : i32
      %dma_start3A_485 = tpu.memref_slice %arg3[%reduce_max3A_14, %dma_start3A_484] : memref<4096x16384xf32, #tpu.memory_space<hbm>> -> memref<1x4096xf32, #tpu.memory_space<hbm>>
      %dma_start3A_486 = tpu.memref_squeeze %dma_start3A_485 : memref<1x4096xf32, #tpu.memory_space<hbm>> -> memref<4096xf32, #tpu.memory_space<hbm>>
      tpu.enqueue_dma source(%dma_start3A_486 : memref<4096xf32, #tpu.memory_space<hbm>>) target(%dma_start3A_483 : memref<4096xf32, #tpu.memory_space<vmem>>) target_semaphore(%arg10 : memref<!tpu.dma_semaphore, #tpu.memory_space<semaphore_mem>>)
    } else {
    }
    %not3A = arith.constant true
    %not3A_42 = arith.xori %and3A, %not3A : i1
    %convert_element_type3A_43 = arith.extui %not3A_42 : i1 to i32
    %cond3A_44 = arith.constant 0 : i32
    %cond3A_45 = arith.cmpi ne, %convert_element_type3A_43, %cond3A_44 : i32
    scf.if %cond3A_45 {
      %dma_start3A_435 = arith.constant 0 : i32
      %dma_start3A_436 = arith.constant 0 : i32
      %dma_start3A_437 = tpu.memref_slice %arg9[%dma_start3A_435, %dma_start3A_436] : memref<2x16384xf32, #tpu.memory_space<vmem>> -> memref<1x4096xf32, #tpu.memory_space<vmem>>
      %dma_start3A_438 = tpu.memref_squeeze %dma_start3A_437 : memref<1x4096xf32, #tpu.memory_space<vmem>> -> memref<4096xf32, #tpu.memory_space<vmem>>
      %dma_start3A_439 = arith.constant 0 : i32
      %dma_start3A_440 = tpu.memref_slice %arg2[%select_n3A, %dma_start3A_439] : memref<64x16384xf32, #tpu.memory_space<hbm>> -> memref<1x4096xf32, #tpu.memory_space<hbm>>
      %dma_start3A_441 = tpu.memref_squeeze %dma_start3A_440 : memref<1x4096xf32, #tpu.memory_space<hbm>> -> memref<4096xf32, #tpu.memory_space<hbm>>
      %dma_start3A_442 = arith.constant 0 : i32
      %dma_start3A_443 = tpu.memref_slice %arg9[%dma_start3A_435, %dma_start3A_442] : memref<2x16384xf32, #tpu.memory_space<vmem>> -> memref<1x4096xf32, #tpu.memory_space<vmem>>
      %dma_start3A_444 = tpu.memref_squeeze %dma_start3A_443 : memref<1x4096xf32, #tpu.memory_space<vmem>> -> memref<4096xf32, #tpu.memory_space<vmem>>
      %dma_start3A_445 = arith.constant 0 : i32
      %dma_start3A_446 = tpu.memref_slice %arg2[%select_n3A, %dma_start3A_445] : memref<64x16384xf32, #tpu.memory_space<hbm>> -> memref<1x4096xf32, #tpu.memory_space<hbm>>
      %dma_start3A_447 = tpu.memref_squeeze %dma_start3A_446 : memref<1x4096xf32, #tpu.memory_space<hbm>> -> memref<4096xf32, #tpu.memory_space<hbm>>
      tpu.enqueue_dma source(%dma_start3A_447 : memref<4096xf32, #tpu.memory_space<hbm>>) target(%dma_start3A_444 : memref<4096xf32, #tpu.memory_space<vmem>>) target_semaphore(%arg10 : memref<!tpu.dma_semaphore, #tpu.memory_space<semaphore_mem>>)
      %dma_start3A_448 = arith.constant 0 : i32
      %dma_start3A_449 = arith.constant 4096 : i32
      %dma_start3A_450 = tpu.memref_slice %arg9[%dma_start3A_448, %dma_start3A_449] : memref<2x16384xf32, #tpu.memory_space<vmem>> -> memref<1x4096xf32, #tpu.memory_space<vmem>>
      %dma_start3A_451 = tpu.memref_squeeze %dma_start3A_450 : memref<1x4096xf32, #tpu.memory_space<vmem>> -> memref<4096xf32, #tpu.memory_space<vmem>>
      %dma_start3A_452 = arith.constant 4096 : i32
      %dma_start3A_453 = tpu.memref_slice %arg2[%select_n3A, %dma_start3A_452] : memref<64x16384xf32, #tpu.memory_space<hbm>> -> memref<1x4096xf32, #tpu.memory_space<hbm>>
      %dma_start3A_454 = tpu.memref_squeeze %dma_start3A_453 : memref<1x4096xf32, #tpu.memory_space<hbm>> -> memref<4096xf32, #tpu.memory_space<hbm>>
      %dma_start3A_455 = arith.constant 4096 : i32
      %dma_start3A_456 = tpu.memref_slice %arg9[%dma_start3A_448, %dma_start3A_455] : memref<2x16384xf32, #tpu.memory_space<vmem>> -> memref<1x4096xf32, #tpu.memory_space<vmem>>
      %dma_start3A_457 = tpu.memref_squeeze %dma_start3A_456 : memref<1x4096xf32, #tpu.memory_space<vmem>> -> memref<4096xf32, #tpu.memory_space<vmem>>
      %dma_start3A_458 = arith.constant 4096 : i32
      %dma_start3A_459 = tpu.memref_slice %arg2[%select_n3A, %dma_start3A_458] : memref<64x16384xf32, #tpu.memory_space<hbm>> -> memref<1x4096xf32, #tpu.memory_space<hbm>>
      %dma_start3A_460 = tpu.memref_squeeze %dma_start3A_459 : memref<1x4096xf32, #tpu.memory_space<hbm>> -> memref<4096xf32, #tpu.memory_space<hbm>>
      tpu.enqueue_dma source(%dma_start3A_460 : memref<4096xf32, #tpu.memory_space<hbm>>) target(%dma_start3A_457 : memref<4096xf32, #tpu.memory_space<vmem>>) target_semaphore(%arg10 : memref<!tpu.dma_semaphore, #tpu.memory_space<semaphore_mem>>)
      %dma_start3A_461 = arith.constant 0 : i32
      %dma_start3A_462 = arith.constant 8192 : i32
      %dma_start3A_463 = tpu.memref_slice %arg9[%dma_start3A_461, %dma_start3A_462] : memref<2x16384xf32, #tpu.memory_space<vmem>> -> memref<1x4096xf32, #tpu.memory_space<vmem>>
      %dma_start3A_464 = tpu.memref_squeeze %dma_start3A_463 : memref<1x4096xf32, #tpu.memory_space<vmem>> -> memref<4096xf32, #tpu.memory_space<vmem>>
      %dma_start3A_465 = arith.constant 8192 : i32
      %dma_start3A_466 = tpu.memref_slice %arg2[%select_n3A, %dma_start3A_465] : memref<64x16384xf32, #tpu.memory_space<hbm>> -> memref<1x4096xf32, #tpu.memory_space<hbm>>
      %dma_start3A_467 = tpu.memref_squeeze %dma_start3A_466 : memref<1x4096xf32, #tpu.memory_space<hbm>> -> memref<4096xf32, #tpu.memory_space<hbm>>
      %dma_start3A_468 = arith.constant 8192 : i32
      %dma_start3A_469 = tpu.memref_slice %arg9[%dma_start3A_461, %dma_start3A_468] : memref<2x16384xf32, #tpu.memory_space<vmem>> -> memref<1x4096xf32, #tpu.memory_space<vmem>>
      %dma_start3A_470 = tpu.memref_squeeze %dma_start3A_469 : memref<1x4096xf32, #tpu.memory_space<vmem>> -> memref<4096xf32, #tpu.memory_space<vmem>>
      %dma_start3A_471 = arith.constant 8192 : i32
      %dma_start3A_472 = tpu.memref_slice %arg2[%select_n3A, %dma_start3A_471] : memref<64x16384xf32, #tpu.memory_space<hbm>> -> memref<1x4096xf32, #tpu.memory_space<hbm>>
      %dma_start3A_473 = tpu.memref_squeeze %dma_start3A_472 : memref<1x4096xf32, #tpu.memory_space<hbm>> -> memref<4096xf32, #tpu.memory_space<hbm>>
      tpu.enqueue_dma source(%dma_start3A_473 : memref<4096xf32, #tpu.memory_space<hbm>>) target(%dma_start3A_470 : memref<4096xf32, #tpu.memory_space<vmem>>) target_semaphore(%arg10 : memref<!tpu.dma_semaphore, #tpu.memory_space<semaphore_mem>>)
      %dma_start3A_474 = arith.constant 0 : i32
      %dma_start3A_475 = arith.constant 12288 : i32
      %dma_start3A_476 = tpu.memref_slice %arg9[%dma_start3A_474, %dma_start3A_475] : memref<2x16384xf32, #tpu.memory_space<vmem>> -> memref<1x4096xf32, #tpu.memory_space<vmem>>
      %dma_start3A_477 = tpu.memref_squeeze %dma_start3A_476 : memref<1x4096xf32, #tpu.memory_space<vmem>> -> memref<4096xf32, #tpu.memory_space<vmem>>
      %dma_start3A_478 = arith.constant 12288 : i32
      %dma_start3A_479 = tpu.memref_slice %arg2[%select_n3A, %dma_start3A_478] : memref<64x16384xf32, #tpu.memory_space<hbm>> -> memref<1x4096xf32, #tpu.memory_space<hbm>>
      %dma_start3A_480 = tpu.memref_squeeze %dma_start3A_479 : memref<1x4096xf32, #tpu.memory_space<hbm>> -> memref<4096xf32, #tpu.memory_space<hbm>>
      %dma_start3A_481 = arith.constant 12288 : i32
      %dma_start3A_482 = tpu.memref_slice %arg9[%dma_start3A_474, %dma_start3A_481] : memref<2x16384xf32, #tpu.memory_space<vmem>> -> memref<1x4096xf32, #tpu.memory_space<vmem>>
      %dma_start3A_483 = tpu.memref_squeeze %dma_start3A_482 : memref<1x4096xf32, #tpu.memory_space<vmem>> -> memref<4096xf32, #tpu.memory_space<vmem>>
      %dma_start3A_484 = arith.constant 12288 : i32
      %dma_start3A_485 = tpu.memref_slice %arg2[%select_n3A, %dma_start3A_484] : memref<64x16384xf32, #tpu.memory_space<hbm>> -> memref<1x4096xf32, #tpu.memory_space<hbm>>
      %dma_start3A_486 = tpu.memref_squeeze %dma_start3A_485 : memref<1x4096xf32, #tpu.memory_space<hbm>> -> memref<4096xf32, #tpu.memory_space<hbm>>
      tpu.enqueue_dma source(%dma_start3A_486 : memref<4096xf32, #tpu.memory_space<hbm>>) target(%dma_start3A_483 : memref<4096xf32, #tpu.memory_space<vmem>>) target_semaphore(%arg10 : memref<!tpu.dma_semaphore, #tpu.memory_space<semaphore_mem>>)
    } else {
    }
    %mul3A_46 = arith.constant 2 : i32
    %mul3A_47 = arith.muli %add3A, %mul3A_46 : i32
    %add3A_48 = arith.constant 1 : i32
    %add3A_49 = arith.addi %mul3A_47, %add3A_48 : i32
    %broadcast_in_dim3A_50 = vector.broadcast %add3A_49 : i32 to vector<16xi32>
    %gather3A_51 = tpu.vector_load_idx %arg7[%broadcast_in_dim3A_50] : memref<64xi32, #tpu.memory_space<vmem>>[vector<16xi32>], vector<16xi32>,
    %gather3A_52 = tpu.vector_load_idx %arg8[%broadcast_in_dim3A_50] : memref<64xi32, #tpu.memory_space<vmem>>[vector<16xi32>], vector<16xi32>,
    %reduce_max3A_53 = arith.constant true
    %reduce_max3A_54 = vector.broadcast %reduce_max3A_53 : i1 to vector<16xi1>
    %reduce_max3A_55 = arith.constant -2147483648 : i32
    %reduce_max3A_56 = vector.broadcast %reduce_max3A_55 : i32 to vector<16xi32>
    %reduce_max3A_57 = arith.xori %gather3A_51, %reduce_max3A_56 : vector<16xi32>
    %reduce_max3A_58 = tpu.scan <max>, %reduce_max3A_57 masked %reduce_max3A_54 : vector<16xi32>, vector<16xi1> -> vector<16xi32>
    %reduce_max3A_59 = arith.xori %reduce_max3A_58, %reduce_max3A_56 : vector<16xi32>
    %reduce_max3A_60 = vector.extract %reduce_max3A_59[15] : i32 from vector<16xi32>
    %reduce_max3A_61 = arith.constant true
    %reduce_max3A_62 = vector.broadcast %reduce_max3A_61 : i1 to vector<16xi1>
    %reduce_max3A_63 = arith.constant -2147483648 : i32
    %reduce_max3A_64 = vector.broadcast %reduce_max3A_63 : i32 to vector<16xi32>
    %reduce_max3A_65 = arith.xori %gather3A_52, %reduce_max3A_64 : vector<16xi32>
    %reduce_max3A_66 = tpu.scan <max>, %reduce_max3A_65 masked %reduce_max3A_62 : vector<16xi32>, vector<16xi1> -> vector<16xi32>
    %reduce_max3A_67 = arith.xori %reduce_max3A_66, %reduce_max3A_64 : vector<16xi32>
    %reduce_max3A_68 = vector.extract %reduce_max3A_67[15] : i32 from vector<16xi32>
    %scan3A_69 = arith.constant 0 : i32
    %scan3A_70 = arith.constant 4 : i32
    %scan3A_71 = arith.addi %scan3A_69, %scan3A_70 : i32
    %scan3A_72 = arith.constant 1 : i32
    %scan3A_73 = scf.for %scan3A_435 = %scan3A_69 to %scan3A_71 step %scan3A_72 iter_args(%scan3A_436 = %broadcast_in_dim3A_1) -> (vector<16xi32>)  : i32 {
      %mul3A_437 = arith.constant 16 : i32
      %mul3A_438 = arith.muli %scan3A_435, %mul3A_437 : i32
      %add3A_439 = vector.broadcast %mul3A_438 : i32 to vector<16xi32>
      %add3A_440 = arith.addi %iota3A, %add3A_439 : vector<16xi32>
      %mul3A_441 = arith.constant 16 : i32
      %mul3A_442 = arith.muli %scan3A_435, %mul3A_441 : i32
      %get3A = arith.index_cast %mul3A_442 : i32 to index
      %get3A_443 = tpu.vector_load %arg7[%get3A] {strides = array<i32>} : memref<64xi32, #tpu.memory_space<vmem>>, vector<16xi32>,
      %mul3A_444 = arith.constant 16 : i32
      %mul3A_445 = arith.muli %scan3A_435, %mul3A_444 : i32
      %get3A_446 = arith.index_cast %mul3A_445 : i32 to index
      %get3A_447 = tpu.vector_load %arg8[%get3A_446] {strides = array<i32>} : memref<64xi32, #tpu.memory_space<vmem>>, vector<16xi32>,
      %eq3A_448 = arith.cmpi eq, %get3A_443, %gather3A_51 : vector<16xi32>
      %eq3A_449 = arith.constant 1 : i32
      %eq3A_450 = vector.broadcast %eq3A_449 : i32 to vector<16xi32>
      %eq3A_451 = arith.cmpi eq, %get3A_447, %eq3A_450 : vector<16xi32>
      %and3A_452 = arith.andi %eq3A_448, %eq3A_451 : vector<16xi1>
      %lt3A_453 = vector.broadcast %add3A_49 : i32 to vector<16xi32>
      %lt3A_454 = arith.cmpi slt, %add3A_440, %lt3A_453 : vector<16xi32>
      %and3A_455 = arith.andi %and3A_452, %lt3A_454 : vector<16xi1>
      %select_n3A_456 = arith.select %and3A_455, %add3A_440, %broadcast_in_dim3A_1 : vector<16xi1>, vector<16xi32>
      %max3A_457 = arith.maxsi %scan3A_436, %select_n3A_456 : vector<16xi32>
      scf.yield %max3A_457 : vector<16xi32>
    }
    %scan3A_74 = arith.constant 4 : i32
    %reduce_max3A_75 = arith.constant true
    %reduce_max3A_76 = vector.broadcast %reduce_max3A_75 : i1 to vector<16xi1>
    %reduce_max3A_77 = arith.constant -2147483648 : i32
    %reduce_max3A_78 = vector.broadcast %reduce_max3A_77 : i32 to vector<16xi32>
    %reduce_max3A_79 = arith.xori %scan3A_73, %reduce_max3A_78 : vector<16xi32>
    %reduce_max3A_80 = tpu.scan <max>, %reduce_max3A_79 masked %reduce_max3A_76 : vector<16xi32>, vector<16xi1> -> vector<16xi32>
    %reduce_max3A_81 = arith.xori %reduce_max3A_80, %reduce_max3A_78 : vector<16xi32>
    %reduce_max3A_82 = vector.extract %reduce_max3A_81[15] : i32 from vector<16xi32>
    %eq3A_83 = arith.constant 1 : i32
    %eq3A_84 = arith.cmpi eq, %reduce_max3A_68, %eq3A_83 : i32
    %lt3A_85 = arith.constant 0 : i32
    %lt3A_86 = arith.cmpi slt, %reduce_max3A_82, %lt3A_85 : i32
    %and3A_87 = arith.andi %eq3A_84, %lt3A_86 : i1
    %eq3A_88 = arith.constant 1 : i32
    %eq3A_89 = arith.cmpi eq, %reduce_max3A_68, %eq3A_88 : i32
    %max3A_90 = arith.constant 0 : i32
    %max3A_91 = arith.maxsi %reduce_max3A_82, %max3A_90 : i32
    %select_n3A_92 = arith.select %eq3A_89, %max3A_91, %add3A_49 : i32
    %convert_element_type3A_93 = arith.extui %and3A_87 : i1 to i32
    %cond3A_94 = arith.constant 0 : i32
    %cond3A_95 = arith.cmpi ne, %convert_element_type3A_93, %cond3A_94 : i32
    scf.if %cond3A_95 {
      %dma_start3A_435 = arith.constant 1 : i32
      %dma_start3A_436 = arith.constant 0 : i32
      %dma_start3A_437 = tpu.memref_slice %arg9[%dma_start3A_435, %dma_start3A_436] : memref<2x16384xf32, #tpu.memory_space<vmem>> -> memref<1x4096xf32, #tpu.memory_space<vmem>>
      %dma_start3A_438 = tpu.memref_squeeze %dma_start3A_437 : memref<1x4096xf32, #tpu.memory_space<vmem>> -> memref<4096xf32, #tpu.memory_space<vmem>>
      %dma_start3A_439 = arith.constant 0 : i32
      %dma_start3A_440 = tpu.memref_slice %arg3[%reduce_max3A_60, %dma_start3A_439] : memref<4096x16384xf32, #tpu.memory_space<hbm>> -> memref<1x4096xf32, #tpu.memory_space<hbm>>
      %dma_start3A_441 = tpu.memref_squeeze %dma_start3A_440 : memref<1x4096xf32, #tpu.memory_space<hbm>> -> memref<4096xf32, #tpu.memory_space<hbm>>
      %dma_start3A_442 = arith.constant 0 : i32
      %dma_start3A_443 = tpu.memref_slice %arg9[%dma_start3A_435, %dma_start3A_442] : memref<2x16384xf32, #tpu.memory_space<vmem>> -> memref<1x4096xf32, #tpu.memory_space<vmem>>
      %dma_start3A_444 = tpu.memref_squeeze %dma_start3A_443 : memref<1x4096xf32, #tpu.memory_space<vmem>> -> memref<4096xf32, #tpu.memory_space<vmem>>
      %dma_start3A_445 = arith.constant 0 : i32
      %dma_start3A_446 = tpu.memref_slice %arg3[%reduce_max3A_60, %dma_start3A_445] : memref<4096x16384xf32, #tpu.memory_space<hbm>> -> memref<1x4096xf32, #tpu.memory_space<hbm>>
      %dma_start3A_447 = tpu.memref_squeeze %dma_start3A_446 : memref<1x4096xf32, #tpu.memory_space<hbm>> -> memref<4096xf32, #tpu.memory_space<hbm>>
      tpu.enqueue_dma source(%dma_start3A_447 : memref<4096xf32, #tpu.memory_space<hbm>>) target(%dma_start3A_444 : memref<4096xf32, #tpu.memory_space<vmem>>) target_semaphore(%arg11 : memref<!tpu.dma_semaphore, #tpu.memory_space<semaphore_mem>>)
      %dma_start3A_448 = arith.constant 1 : i32
      %dma_start3A_449 = arith.constant 4096 : i32
      %dma_start3A_450 = tpu.memref_slice %arg9[%dma_start3A_448, %dma_start3A_449] : memref<2x16384xf32, #tpu.memory_space<vmem>> -> memref<1x4096xf32, #tpu.memory_space<vmem>>
      %dma_start3A_451 = tpu.memref_squeeze %dma_start3A_450 : memref<1x4096xf32, #tpu.memory_space<vmem>> -> memref<4096xf32, #tpu.memory_space<vmem>>
      %dma_start3A_452 = arith.constant 4096 : i32
      %dma_start3A_453 = tpu.memref_slice %arg3[%reduce_max3A_60, %dma_start3A_452] : memref<4096x16384xf32, #tpu.memory_space<hbm>> -> memref<1x4096xf32, #tpu.memory_space<hbm>>
      %dma_start3A_454 = tpu.memref_squeeze %dma_start3A_453 : memref<1x4096xf32, #tpu.memory_space<hbm>> -> memref<4096xf32, #tpu.memory_space<hbm>>
      %dma_start3A_455 = arith.constant 4096 : i32
      %dma_start3A_456 = tpu.memref_slice %arg9[%dma_start3A_448, %dma_start3A_455] : memref<2x16384xf32, #tpu.memory_space<vmem>> -> memref<1x4096xf32, #tpu.memory_space<vmem>>
      %dma_start3A_457 = tpu.memref_squeeze %dma_start3A_456 : memref<1x4096xf32, #tpu.memory_space<vmem>> -> memref<4096xf32, #tpu.memory_space<vmem>>
      %dma_start3A_458 = arith.constant 4096 : i32
      %dma_start3A_459 = tpu.memref_slice %arg3[%reduce_max3A_60, %dma_start3A_458] : memref<4096x16384xf32, #tpu.memory_space<hbm>> -> memref<1x4096xf32, #tpu.memory_space<hbm>>
      %dma_start3A_460 = tpu.memref_squeeze %dma_start3A_459 : memref<1x4096xf32, #tpu.memory_space<hbm>> -> memref<4096xf32, #tpu.memory_space<hbm>>
      tpu.enqueue_dma source(%dma_start3A_460 : memref<4096xf32, #tpu.memory_space<hbm>>) target(%dma_start3A_457 : memref<4096xf32, #tpu.memory_space<vmem>>) target_semaphore(%arg11 : memref<!tpu.dma_semaphore, #tpu.memory_space<semaphore_mem>>)
      %dma_start3A_461 = arith.constant 1 : i32
      %dma_start3A_462 = arith.constant 8192 : i32
      %dma_start3A_463 = tpu.memref_slice %arg9[%dma_start3A_461, %dma_start3A_462] : memref<2x16384xf32, #tpu.memory_space<vmem>> -> memref<1x4096xf32, #tpu.memory_space<vmem>>
      %dma_start3A_464 = tpu.memref_squeeze %dma_start3A_463 : memref<1x4096xf32, #tpu.memory_space<vmem>> -> memref<4096xf32, #tpu.memory_space<vmem>>
      %dma_start3A_465 = arith.constant 8192 : i32
      %dma_start3A_466 = tpu.memref_slice %arg3[%reduce_max3A_60, %dma_start3A_465] : memref<4096x16384xf32, #tpu.memory_space<hbm>> -> memref<1x4096xf32, #tpu.memory_space<hbm>>
      %dma_start3A_467 = tpu.memref_squeeze %dma_start3A_466 : memref<1x4096xf32, #tpu.memory_space<hbm>> -> memref<4096xf32, #tpu.memory_space<hbm>>
      %dma_start3A_468 = arith.constant 8192 : i32
      %dma_start3A_469 = tpu.memref_slice %arg9[%dma_start3A_461, %dma_start3A_468] : memref<2x16384xf32, #tpu.memory_space<vmem>> -> memref<1x4096xf32, #tpu.memory_space<vmem>>
      %dma_start3A_470 = tpu.memref_squeeze %dma_start3A_469 : memref<1x4096xf32, #tpu.memory_space<vmem>> -> memref<4096xf32, #tpu.memory_space<vmem>>
      %dma_start3A_471 = arith.constant 8192 : i32
      %dma_start3A_472 = tpu.memref_slice %arg3[%reduce_max3A_60, %dma_start3A_471] : memref<4096x16384xf32, #tpu.memory_space<hbm>> -> memref<1x4096xf32, #tpu.memory_space<hbm>>
      %dma_start3A_473 = tpu.memref_squeeze %dma_start3A_472 : memref<1x4096xf32, #tpu.memory_space<hbm>> -> memref<4096xf32, #tpu.memory_space<hbm>>
      tpu.enqueue_dma source(%dma_start3A_473 : memref<4096xf32, #tpu.memory_space<hbm>>) target(%dma_start3A_470 : memref<4096xf32, #tpu.memory_space<vmem>>) target_semaphore(%arg11 : memref<!tpu.dma_semaphore, #tpu.memory_space<semaphore_mem>>)
      %dma_start3A_474 = arith.constant 1 : i32
      %dma_start3A_475 = arith.constant 12288 : i32
      %dma_start3A_476 = tpu.memref_slice %arg9[%dma_start3A_474, %dma_start3A_475] : memref<2x16384xf32, #tpu.memory_space<vmem>> -> memref<1x4096xf32, #tpu.memory_space<vmem>>
      %dma_start3A_477 = tpu.memref_squeeze %dma_start3A_476 : memref<1x4096xf32, #tpu.memory_space<vmem>> -> memref<4096xf32, #tpu.memory_space<vmem>>
      %dma_start3A_478 = arith.constant 12288 : i32
      %dma_start3A_479 = tpu.memref_slice %arg3[%reduce_max3A_60, %dma_start3A_478] : memref<4096x16384xf32, #tpu.memory_space<hbm>> -> memref<1x4096xf32, #tpu.memory_space<hbm>>
      %dma_start3A_480 = tpu.memref_squeeze %dma_start3A_479 : memref<1x4096xf32, #tpu.memory_space<hbm>> -> memref<4096xf32, #tpu.memory_space<hbm>>
      %dma_start3A_481 = arith.constant 12288 : i32
      %dma_start3A_482 = tpu.memref_slice %arg9[%dma_start3A_474, %dma_start3A_481] : memref<2x16384xf32, #tpu.memory_space<vmem>> -> memref<1x4096xf32, #tpu.memory_space<vmem>>
      %dma_start3A_483 = tpu.memref_squeeze %dma_start3A_482 : memref<1x4096xf32, #tpu.memory_space<vmem>> -> memref<4096xf32, #tpu.memory_space<vmem>>
      %dma_start3A_484 = arith.constant 12288 : i32
      %dma_start3A_485 = tpu.memref_slice %arg3[%reduce_max3A_60, %dma_start3A_484] : memref<4096x16384xf32, #tpu.memory_space<hbm>> -> memref<1x4096xf32, #tpu.memory_space<hbm>>
      %dma_start3A_486 = tpu.memref_squeeze %dma_start3A_485 : memref<1x4096xf32, #tpu.memory_space<hbm>> -> memref<4096xf32, #tpu.memory_space<hbm>>
      tpu.enqueue_dma source(%dma_start3A_486 : memref<4096xf32, #tpu.memory_space<hbm>>) target(%dma_start3A_483 : memref<4096xf32, #tpu.memory_space<vmem>>) target_semaphore(%arg11 : memref<!tpu.dma_semaphore, #tpu.memory_space<semaphore_mem>>)
    } else {
    }
    %not3A_96 = arith.constant true
    %not3A_97 = arith.xori %and3A_87, %not3A_96 : i1
    %convert_element_type3A_98 = arith.extui %not3A_97 : i1 to i32
    %cond3A_99 = arith.constant 0 : i32
    %cond3A_100 = arith.cmpi ne, %convert_element_type3A_98, %cond3A_99 : i32
    scf.if %cond3A_100 {
      %dma_start3A_435 = arith.constant 1 : i32
      %dma_start3A_436 = arith.constant 0 : i32
      %dma_start3A_437 = tpu.memref_slice %arg9[%dma_start3A_435, %dma_start3A_436] : memref<2x16384xf32, #tpu.memory_space<vmem>> -> memref<1x4096xf32, #tpu.memory_space<vmem>>
      %dma_start3A_438 = tpu.memref_squeeze %dma_start3A_437 : memref<1x4096xf32, #tpu.memory_space<vmem>> -> memref<4096xf32, #tpu.memory_space<vmem>>
      %dma_start3A_439 = arith.constant 0 : i32
      %dma_start3A_440 = tpu.memref_slice %arg2[%select_n3A_92, %dma_start3A_439] : memref<64x16384xf32, #tpu.memory_space<hbm>> -> memref<1x4096xf32, #tpu.memory_space<hbm>>
      %dma_start3A_441 = tpu.memref_squeeze %dma_start3A_440 : memref<1x4096xf32, #tpu.memory_space<hbm>> -> memref<4096xf32, #tpu.memory_space<hbm>>
      %dma_start3A_442 = arith.constant 0 : i32
      %dma_start3A_443 = tpu.memref_slice %arg9[%dma_start3A_435, %dma_start3A_442] : memref<2x16384xf32, #tpu.memory_space<vmem>> -> memref<1x4096xf32, #tpu.memory_space<vmem>>
      %dma_start3A_444 = tpu.memref_squeeze %dma_start3A_443 : memref<1x4096xf32, #tpu.memory_space<vmem>> -> memref<4096xf32, #tpu.memory_space<vmem>>
      %dma_start3A_445 = arith.constant 0 : i32
      %dma_start3A_446 = tpu.memref_slice %arg2[%select_n3A_92, %dma_start3A_445] : memref<64x16384xf32, #tpu.memory_space<hbm>> -> memref<1x4096xf32, #tpu.memory_space<hbm>>
      %dma_start3A_447 = tpu.memref_squeeze %dma_start3A_446 : memref<1x4096xf32, #tpu.memory_space<hbm>> -> memref<4096xf32, #tpu.memory_space<hbm>>
      tpu.enqueue_dma source(%dma_start3A_447 : memref<4096xf32, #tpu.memory_space<hbm>>) target(%dma_start3A_444 : memref<4096xf32, #tpu.memory_space<vmem>>) target_semaphore(%arg11 : memref<!tpu.dma_semaphore, #tpu.memory_space<semaphore_mem>>)
      %dma_start3A_448 = arith.constant 1 : i32
      %dma_start3A_449 = arith.constant 4096 : i32
      %dma_start3A_450 = tpu.memref_slice %arg9[%dma_start3A_448, %dma_start3A_449] : memref<2x16384xf32, #tpu.memory_space<vmem>> -> memref<1x4096xf32, #tpu.memory_space<vmem>>
      %dma_start3A_451 = tpu.memref_squeeze %dma_start3A_450 : memref<1x4096xf32, #tpu.memory_space<vmem>> -> memref<4096xf32, #tpu.memory_space<vmem>>
      %dma_start3A_452 = arith.constant 4096 : i32
      %dma_start3A_453 = tpu.memref_slice %arg2[%select_n3A_92, %dma_start3A_452] : memref<64x16384xf32, #tpu.memory_space<hbm>> -> memref<1x4096xf32, #tpu.memory_space<hbm>>
      %dma_start3A_454 = tpu.memref_squeeze %dma_start3A_453 : memref<1x4096xf32, #tpu.memory_space<hbm>> -> memref<4096xf32, #tpu.memory_space<hbm>>
      %dma_start3A_455 = arith.constant 4096 : i32
      %dma_start3A_456 = tpu.memref_slice %arg9[%dma_start3A_448, %dma_start3A_455] : memref<2x16384xf32, #tpu.memory_space<vmem>> -> memref<1x4096xf32, #tpu.memory_space<vmem>>
      %dma_start3A_457 = tpu.memref_squeeze %dma_start3A_456 : memref<1x4096xf32, #tpu.memory_space<vmem>> -> memref<4096xf32, #tpu.memory_space<vmem>>
      %dma_start3A_458 = arith.constant 4096 : i32
      %dma_start3A_459 = tpu.memref_slice %arg2[%select_n3A_92, %dma_start3A_458] : memref<64x16384xf32, #tpu.memory_space<hbm>> -> memref<1x4096xf32, #tpu.memory_space<hbm>>
      %dma_start3A_460 = tpu.memref_squeeze %dma_start3A_459 : memref<1x4096xf32, #tpu.memory_space<hbm>> -> memref<4096xf32, #tpu.memory_space<hbm>>
      tpu.enqueue_dma source(%dma_start3A_460 : memref<4096xf32, #tpu.memory_space<hbm>>) target(%dma_start3A_457 : memref<4096xf32, #tpu.memory_space<vmem>>) target_semaphore(%arg11 : memref<!tpu.dma_semaphore, #tpu.memory_space<semaphore_mem>>)
      %dma_start3A_461 = arith.constant 1 : i32
      %dma_start3A_462 = arith.constant 8192 : i32
      %dma_start3A_463 = tpu.memref_slice %arg9[%dma_start3A_461, %dma_start3A_462] : memref<2x16384xf32, #tpu.memory_space<vmem>> -> memref<1x4096xf32, #tpu.memory_space<vmem>>
      %dma_start3A_464 = tpu.memref_squeeze %dma_start3A_463 : memref<1x4096xf32, #tpu.memory_space<vmem>> -> memref<4096xf32, #tpu.memory_space<vmem>>
      %dma_start3A_465 = arith.constant 8192 : i32
      %dma_start3A_466 = tpu.memref_slice %arg2[%select_n3A_92, %dma_start3A_465] : memref<64x16384xf32, #tpu.memory_space<hbm>> -> memref<1x4096xf32, #tpu.memory_space<hbm>>
      %dma_start3A_467 = tpu.memref_squeeze %dma_start3A_466 : memref<1x4096xf32, #tpu.memory_space<hbm>> -> memref<4096xf32, #tpu.memory_space<hbm>>
      %dma_start3A_468 = arith.constant 8192 : i32
      %dma_start3A_469 = tpu.memref_slice %arg9[%dma_start3A_461, %dma_start3A_468] : memref<2x16384xf32, #tpu.memory_space<vmem>> -> memref<1x4096xf32, #tpu.memory_space<vmem>>
      %dma_start3A_470 = tpu.memref_squeeze %dma_start3A_469 : memref<1x4096xf32, #tpu.memory_space<vmem>> -> memref<4096xf32, #tpu.memory_space<vmem>>
      %dma_start3A_471 = arith.constant 8192 : i32
      %dma_start3A_472 = tpu.memref_slice %arg2[%select_n3A_92, %dma_start3A_471] : memref<64x16384xf32, #tpu.memory_space<hbm>> -> memref<1x4096xf32, #tpu.memory_space<hbm>>
      %dma_start3A_473 = tpu.memref_squeeze %dma_start3A_472 : memref<1x4096xf32, #tpu.memory_space<hbm>> -> memref<4096xf32, #tpu.memory_space<hbm>>
      tpu.enqueue_dma source(%dma_start3A_473 : memref<4096xf32, #tpu.memory_space<hbm>>) target(%dma_start3A_470 : memref<4096xf32, #tpu.memory_space<vmem>>) target_semaphore(%arg11 : memref<!tpu.dma_semaphore, #tpu.memory_space<semaphore_mem>>)
      %dma_start3A_474 = arith.constant 1 : i32
      %dma_start3A_475 = arith.constant 12288 : i32
      %dma_start3A_476 = tpu.memref_slice %arg9[%dma_start3A_474, %dma_start3A_475] : memref<2x16384xf32, #tpu.memory_space<vmem>> -> memref<1x4096xf32, #tpu.memory_space<vmem>>
      %dma_start3A_477 = tpu.memref_squeeze %dma_start3A_476 : memref<1x4096xf32, #tpu.memory_space<vmem>> -> memref<4096xf32, #tpu.memory_space<vmem>>
      %dma_start3A_478 = arith.constant 12288 : i32
      %dma_start3A_479 = tpu.memref_slice %arg2[%select_n3A_92, %dma_start3A_478] : memref<64x16384xf32, #tpu.memory_space<hbm>> -> memref<1x4096xf32, #tpu.memory_space<hbm>>
      %dma_start3A_480 = tpu.memref_squeeze %dma_start3A_479 : memref<1x4096xf32, #tpu.memory_space<hbm>> -> memref<4096xf32, #tpu.memory_space<hbm>>
      %dma_start3A_481 = arith.constant 12288 : i32
      %dma_start3A_482 = tpu.memref_slice %arg9[%dma_start3A_474, %dma_start3A_481] : memref<2x16384xf32, #tpu.memory_space<vmem>> -> memref<1x4096xf32, #tpu.memory_space<vmem>>
      %dma_start3A_483 = tpu.memref_squeeze %dma_start3A_482 : memref<1x4096xf32, #tpu.memory_space<vmem>> -> memref<4096xf32, #tpu.memory_space<vmem>>
      %dma_start3A_484 = arith.constant 12288 : i32
      %dma_start3A_485 = tpu.memref_slice %arg2[%select_n3A_92, %dma_start3A_484] : memref<64x16384xf32, #tpu.memory_space<hbm>> -> memref<1x4096xf32, #tpu.memory_space<hbm>>
      %dma_start3A_486 = tpu.memref_squeeze %dma_start3A_485 : memref<1x4096xf32, #tpu.memory_space<hbm>> -> memref<4096xf32, #tpu.memory_space<hbm>>
      tpu.enqueue_dma source(%dma_start3A_486 : memref<4096xf32, #tpu.memory_space<hbm>>) target(%dma_start3A_483 : memref<4096xf32, #tpu.memory_space<vmem>>) target_semaphore(%arg11 : memref<!tpu.dma_semaphore, #tpu.memory_space<semaphore_mem>>)
    } else {
    }
    %mul3A_101 = arith.constant 2 : i32
    %mul3A_102 = arith.muli %add3A, %mul3A_101 : i32
    %add3A_103 = arith.constant 0 : i32
    %add3A_104 = arith.addi %mul3A_102, %add3A_103 : i32
    %dma_wait3A = arith.constant 0 : i32
    %dma_wait3A_105 = arith.constant 0 : i32
    %dma_wait3A_106 = arith.constant 0 : i32
    %dma_wait3A_107 = tpu.memref_slice %arg9[%dma_wait3A_105, %dma_wait3A_106] : memref<2x16384xf32, #tpu.memory_space<vmem>> -> memref<1x4096xf32, #tpu.memory_space<vmem>>
    %dma_wait3A_108 = tpu.memref_squeeze %dma_wait3A_107 : memref<1x4096xf32, #tpu.memory_space<vmem>> -> memref<4096xf32, #tpu.memory_space<vmem>>
    %dma_wait3A_109 = arith.constant 0 : i32
    %dma_wait3A_110 = tpu.memref_slice %arg2[%dma_wait3A, %dma_wait3A_109] : memref<64x16384xf32, #tpu.memory_space<hbm>> -> memref<1x4096xf32, #tpu.memory_space<hbm>>
    %dma_wait3A_111 = tpu.memref_squeeze %dma_wait3A_110 : memref<1x4096xf32, #tpu.memory_space<hbm>> -> memref<4096xf32, #tpu.memory_space<hbm>>
    %dma_wait3A_112 = arith.constant 0 : i32
    %dma_wait3A_113 = tpu.memref_slice %arg9[%dma_wait3A_105, %dma_wait3A_112] : memref<2x16384xf32, #tpu.memory_space<vmem>> -> memref<1x4096xf32, #tpu.memory_space<vmem>>
    %dma_wait3A_114 = tpu.memref_squeeze %dma_wait3A_113 : memref<1x4096xf32, #tpu.memory_space<vmem>> -> memref<4096xf32, #tpu.memory_space<vmem>>
    %dma_wait3A_115 = arith.constant 0 : i32
    %dma_wait3A_116 = tpu.memref_slice %arg2[%dma_wait3A, %dma_wait3A_115] : memref<64x16384xf32, #tpu.memory_space<hbm>> -> memref<1x4096xf32, #tpu.memory_space<hbm>>
    %dma_wait3A_117 = tpu.memref_squeeze %dma_wait3A_116 : memref<1x4096xf32, #tpu.memory_space<hbm>> -> memref<4096xf32, #tpu.memory_space<hbm>>
    tpu.wait_dma2 semaphore(%arg10 : memref<!tpu.dma_semaphore, #tpu.memory_space<semaphore_mem>>) src(%dma_wait3A_117 : memref<4096xf32, #tpu.memory_space<hbm>>) dst(%dma_wait3A_114 : memref<4096xf32, #tpu.memory_space<vmem>>)
    %dma_start3A = arith.constant 0 : i32
    %dma_start3A_118 = arith.constant 0 : i32
    %dma_start3A_119 = tpu.memref_slice %arg9[%dma_start3A, %dma_start3A_118] : memref<2x16384xf32, #tpu.memory_space<vmem>> -> memref<1x4096xf32, #tpu.memory_space<vmem>>
    %dma_start3A_120 = tpu.memref_squeeze %dma_start3A_119 : memref<1x4096xf32, #tpu.memory_space<vmem>> -> memref<4096xf32, #tpu.memory_space<vmem>>
    %dma_start3A_121 = arith.constant 0 : i32
    %dma_start3A_122 = tpu.memref_slice %arg6[%add3A_104, %dma_start3A_121] : memref<64x16384xf32, #tpu.memory_space<hbm>> -> memref<1x4096xf32, #tpu.memory_space<hbm>>
    %dma_start3A_123 = tpu.memref_squeeze %dma_start3A_122 : memref<1x4096xf32, #tpu.memory_space<hbm>> -> memref<4096xf32, #tpu.memory_space<hbm>>
    %dma_start3A_124 = arith.constant 0 : i32
    %dma_start3A_125 = tpu.memref_slice %arg6[%add3A_104, %dma_start3A_124] : memref<64x16384xf32, #tpu.memory_space<hbm>> -> memref<1x4096xf32, #tpu.memory_space<hbm>>
    %dma_start3A_126 = tpu.memref_squeeze %dma_start3A_125 : memref<1x4096xf32, #tpu.memory_space<hbm>> -> memref<4096xf32, #tpu.memory_space<hbm>>
    %dma_start3A_127 = arith.constant 0 : i32
    %dma_start3A_128 = tpu.memref_slice %arg9[%dma_start3A, %dma_start3A_127] : memref<2x16384xf32, #tpu.memory_space<vmem>> -> memref<1x4096xf32, #tpu.memory_space<vmem>>
    %dma_start3A_129 = tpu.memref_squeeze %dma_start3A_128 : memref<1x4096xf32, #tpu.memory_space<vmem>> -> memref<4096xf32, #tpu.memory_space<vmem>>
    tpu.enqueue_dma source(%dma_start3A_129 : memref<4096xf32, #tpu.memory_space<vmem>>) target(%dma_start3A_126 : memref<4096xf32, #tpu.memory_space<hbm>>) target_semaphore(%arg12 : memref<!tpu.dma_semaphore, #tpu.memory_space<semaphore_mem>>)
    %dma_wait3A_130 = arith.constant 0 : i32
    %dma_wait3A_131 = arith.constant 0 : i32
    %dma_wait3A_132 = arith.constant 4096 : i32
    %dma_wait3A_133 = tpu.memref_slice %arg9[%dma_wait3A_131, %dma_wait3A_132] : memref<2x16384xf32, #tpu.memory_space<vmem>> -> memref<1x4096xf32, #tpu.memory_space<vmem>>
    %dma_wait3A_134 = tpu.memref_squeeze %dma_wait3A_133 : memref<1x4096xf32, #tpu.memory_space<vmem>> -> memref<4096xf32, #tpu.memory_space<vmem>>
    %dma_wait3A_135 = arith.constant 0 : i32
    %dma_wait3A_136 = tpu.memref_slice %arg2[%dma_wait3A_130, %dma_wait3A_135] : memref<64x16384xf32, #tpu.memory_space<hbm>> -> memref<1x4096xf32, #tpu.memory_space<hbm>>
    %dma_wait3A_137 = tpu.memref_squeeze %dma_wait3A_136 : memref<1x4096xf32, #tpu.memory_space<hbm>> -> memref<4096xf32, #tpu.memory_space<hbm>>
    %dma_wait3A_138 = arith.constant 4096 : i32
    %dma_wait3A_139 = tpu.memref_slice %arg9[%dma_wait3A_131, %dma_wait3A_138] : memref<2x16384xf32, #tpu.memory_space<vmem>> -> memref<1x4096xf32, #tpu.memory_space<vmem>>
    %dma_wait3A_140 = tpu.memref_squeeze %dma_wait3A_139 : memref<1x4096xf32, #tpu.memory_space<vmem>> -> memref<4096xf32, #tpu.memory_space<vmem>>
    %dma_wait3A_141 = arith.constant 0 : i32
    %dma_wait3A_142 = tpu.memref_slice %arg2[%dma_wait3A_130, %dma_wait3A_141] : memref<64x16384xf32, #tpu.memory_space<hbm>> -> memref<1x4096xf32, #tpu.memory_space<hbm>>
    %dma_wait3A_143 = tpu.memref_squeeze %dma_wait3A_142 : memref<1x4096xf32, #tpu.memory_space<hbm>> -> memref<4096xf32, #tpu.memory_space<hbm>>
    tpu.wait_dma2 semaphore(%arg10 : memref<!tpu.dma_semaphore, #tpu.memory_space<semaphore_mem>>) src(%dma_wait3A_143 : memref<4096xf32, #tpu.memory_space<hbm>>) dst(%dma_wait3A_140 : memref<4096xf32, #tpu.memory_space<vmem>>)
    %dma_start3A_144 = arith.constant 0 : i32
    %dma_start3A_145 = arith.constant 4096 : i32
    %dma_start3A_146 = tpu.memref_slice %arg9[%dma_start3A_144, %dma_start3A_145] : memref<2x16384xf32, #tpu.memory_space<vmem>> -> memref<1x4096xf32, #tpu.memory_space<vmem>>
    %dma_start3A_147 = tpu.memref_squeeze %dma_start3A_146 : memref<1x4096xf32, #tpu.memory_space<vmem>> -> memref<4096xf32, #tpu.memory_space<vmem>>
    %dma_start3A_148 = arith.constant 4096 : i32
    %dma_start3A_149 = tpu.memref_slice %arg6[%add3A_104, %dma_start3A_148] : memref<64x16384xf32, #tpu.memory_space<hbm>> -> memref<1x4096xf32, #tpu.memory_space<hbm>>
    %dma_start3A_150 = tpu.memref_squeeze %dma_start3A_149 : memref<1x4096xf32, #tpu.memory_space<hbm>> -> memref<4096xf32, #tpu.memory_space<hbm>>
    %dma_start3A_151 = arith.constant 4096 : i32
    %dma_start3A_152 = tpu.memref_slice %arg6[%add3A_104, %dma_start3A_151] : memref<64x16384xf32, #tpu.memory_space<hbm>> -> memref<1x4096xf32, #tpu.memory_space<hbm>>
    %dma_start3A_153 = tpu.memref_squeeze %dma_start3A_152 : memref<1x4096xf32, #tpu.memory_space<hbm>> -> memref<4096xf32, #tpu.memory_space<hbm>>
    %dma_start3A_154 = arith.constant 4096 : i32
    %dma_start3A_155 = tpu.memref_slice %arg9[%dma_start3A_144, %dma_start3A_154] : memref<2x16384xf32, #tpu.memory_space<vmem>> -> memref<1x4096xf32, #tpu.memory_space<vmem>>
    %dma_start3A_156 = tpu.memref_squeeze %dma_start3A_155 : memref<1x4096xf32, #tpu.memory_space<vmem>> -> memref<4096xf32, #tpu.memory_space<vmem>>
    tpu.enqueue_dma source(%dma_start3A_156 : memref<4096xf32, #tpu.memory_space<vmem>>) target(%dma_start3A_153 : memref<4096xf32, #tpu.memory_space<hbm>>) target_semaphore(%arg12 : memref<!tpu.dma_semaphore, #tpu.memory_space<semaphore_mem>>)
    %dma_wait3A_157 = arith.constant 0 : i32
    %dma_wait3A_158 = arith.constant 0 : i32
    %dma_wait3A_159 = arith.constant 8192 : i32
    %dma_wait3A_160 = tpu.memref_slice %arg9[%dma_wait3A_158, %dma_wait3A_159] : memref<2x16384xf32, #tpu.memory_space<vmem>> -> memref<1x4096xf32, #tpu.memory_space<vmem>>
    %dma_wait3A_161 = tpu.memref_squeeze %dma_wait3A_160 : memref<1x4096xf32, #tpu.memory_space<vmem>> -> memref<4096xf32, #tpu.memory_space<vmem>>
    %dma_wait3A_162 = arith.constant 0 : i32
    %dma_wait3A_163 = tpu.memref_slice %arg2[%dma_wait3A_157, %dma_wait3A_162] : memref<64x16384xf32, #tpu.memory_space<hbm>> -> memref<1x4096xf32, #tpu.memory_space<hbm>>
    %dma_wait3A_164 = tpu.memref_squeeze %dma_wait3A_163 : memref<1x4096xf32, #tpu.memory_space<hbm>> -> memref<4096xf32, #tpu.memory_space<hbm>>
    %dma_wait3A_165 = arith.constant 8192 : i32
    %dma_wait3A_166 = tpu.memref_slice %arg9[%dma_wait3A_158, %dma_wait3A_165] : memref<2x16384xf32, #tpu.memory_space<vmem>> -> memref<1x4096xf32, #tpu.memory_space<vmem>>
    %dma_wait3A_167 = tpu.memref_squeeze %dma_wait3A_166 : memref<1x4096xf32, #tpu.memory_space<vmem>> -> memref<4096xf32, #tpu.memory_space<vmem>>
    %dma_wait3A_168 = arith.constant 0 : i32
    %dma_wait3A_169 = tpu.memref_slice %arg2[%dma_wait3A_157, %dma_wait3A_168] : memref<64x16384xf32, #tpu.memory_space<hbm>> -> memref<1x4096xf32, #tpu.memory_space<hbm>>
    %dma_wait3A_170 = tpu.memref_squeeze %dma_wait3A_169 : memref<1x4096xf32, #tpu.memory_space<hbm>> -> memref<4096xf32, #tpu.memory_space<hbm>>
    tpu.wait_dma2 semaphore(%arg10 : memref<!tpu.dma_semaphore, #tpu.memory_space<semaphore_mem>>) src(%dma_wait3A_170 : memref<4096xf32, #tpu.memory_space<hbm>>) dst(%dma_wait3A_167 : memref<4096xf32, #tpu.memory_space<vmem>>)
    %dma_start3A_171 = arith.constant 0 : i32
    %dma_start3A_172 = arith.constant 8192 : i32
    %dma_start3A_173 = tpu.memref_slice %arg9[%dma_start3A_171, %dma_start3A_172] : memref<2x16384xf32, #tpu.memory_space<vmem>> -> memref<1x4096xf32, #tpu.memory_space<vmem>>
    %dma_start3A_174 = tpu.memref_squeeze %dma_start3A_173 : memref<1x4096xf32, #tpu.memory_space<vmem>> -> memref<4096xf32, #tpu.memory_space<vmem>>
    %dma_start3A_175 = arith.constant 8192 : i32
    %dma_start3A_176 = tpu.memref_slice %arg6[%add3A_104, %dma_start3A_175] : memref<64x16384xf32, #tpu.memory_space<hbm>> -> memref<1x4096xf32, #tpu.memory_space<hbm>>
    %dma_start3A_177 = tpu.memref_squeeze %dma_start3A_176 : memref<1x4096xf32, #tpu.memory_space<hbm>> -> memref<4096xf32, #tpu.memory_space<hbm>>
    %dma_start3A_178 = arith.constant 8192 : i32
    %dma_start3A_179 = tpu.memref_slice %arg6[%add3A_104, %dma_start3A_178] : memref<64x16384xf32, #tpu.memory_space<hbm>> -> memref<1x4096xf32, #tpu.memory_space<hbm>>
    %dma_start3A_180 = tpu.memref_squeeze %dma_start3A_179 : memref<1x4096xf32, #tpu.memory_space<hbm>> -> memref<4096xf32, #tpu.memory_space<hbm>>
    %dma_start3A_181 = arith.constant 8192 : i32
    %dma_start3A_182 = tpu.memref_slice %arg9[%dma_start3A_171, %dma_start3A_181] : memref<2x16384xf32, #tpu.memory_space<vmem>> -> memref<1x4096xf32, #tpu.memory_space<vmem>>
    %dma_start3A_183 = tpu.memref_squeeze %dma_start3A_182 : memref<1x4096xf32, #tpu.memory_space<vmem>> -> memref<4096xf32, #tpu.memory_space<vmem>>
    tpu.enqueue_dma source(%dma_start3A_183 : memref<4096xf32, #tpu.memory_space<vmem>>) target(%dma_start3A_180 : memref<4096xf32, #tpu.memory_space<hbm>>) target_semaphore(%arg12 : memref<!tpu.dma_semaphore, #tpu.memory_space<semaphore_mem>>)
    %dma_wait3A_184 = arith.constant 0 : i32
    %dma_wait3A_185 = arith.constant 0 : i32
    %dma_wait3A_186 = arith.constant 12288 : i32
    %dma_wait3A_187 = tpu.memref_slice %arg9[%dma_wait3A_185, %dma_wait3A_186] : memref<2x16384xf32, #tpu.memory_space<vmem>> -> memref<1x4096xf32, #tpu.memory_space<vmem>>
    %dma_wait3A_188 = tpu.memref_squeeze %dma_wait3A_187 : memref<1x4096xf32, #tpu.memory_space<vmem>> -> memref<4096xf32, #tpu.memory_space<vmem>>
    %dma_wait3A_189 = arith.constant 0 : i32
    %dma_wait3A_190 = tpu.memref_slice %arg2[%dma_wait3A_184, %dma_wait3A_189] : memref<64x16384xf32, #tpu.memory_space<hbm>> -> memref<1x4096xf32, #tpu.memory_space<hbm>>
    %dma_wait3A_191 = tpu.memref_squeeze %dma_wait3A_190 : memref<1x4096xf32, #tpu.memory_space<hbm>> -> memref<4096xf32, #tpu.memory_space<hbm>>
    %dma_wait3A_192 = arith.constant 12288 : i32
    %dma_wait3A_193 = tpu.memref_slice %arg9[%dma_wait3A_185, %dma_wait3A_192] : memref<2x16384xf32, #tpu.memory_space<vmem>> -> memref<1x4096xf32, #tpu.memory_space<vmem>>
    %dma_wait3A_194 = tpu.memref_squeeze %dma_wait3A_193 : memref<1x4096xf32, #tpu.memory_space<vmem>> -> memref<4096xf32, #tpu.memory_space<vmem>>
    %dma_wait3A_195 = arith.constant 0 : i32
    %dma_wait3A_196 = tpu.memref_slice %arg2[%dma_wait3A_184, %dma_wait3A_195] : memref<64x16384xf32, #tpu.memory_space<hbm>> -> memref<1x4096xf32, #tpu.memory_space<hbm>>
    %dma_wait3A_197 = tpu.memref_squeeze %dma_wait3A_196 : memref<1x4096xf32, #tpu.memory_space<hbm>> -> memref<4096xf32, #tpu.memory_space<hbm>>
    tpu.wait_dma2 semaphore(%arg10 : memref<!tpu.dma_semaphore, #tpu.memory_space<semaphore_mem>>) src(%dma_wait3A_197 : memref<4096xf32, #tpu.memory_space<hbm>>) dst(%dma_wait3A_194 : memref<4096xf32, #tpu.memory_space<vmem>>)
    %dma_start3A_198 = arith.constant 0 : i32
    %dma_start3A_199 = arith.constant 12288 : i32
    %dma_start3A_200 = tpu.memref_slice %arg9[%dma_start3A_198, %dma_start3A_199] : memref<2x16384xf32, #tpu.memory_space<vmem>> -> memref<1x4096xf32, #tpu.memory_space<vmem>>
    %dma_start3A_201 = tpu.memref_squeeze %dma_start3A_200 : memref<1x4096xf32, #tpu.memory_space<vmem>> -> memref<4096xf32, #tpu.memory_space<vmem>>
    %dma_start3A_202 = arith.constant 12288 : i32
    %dma_start3A_203 = tpu.memref_slice %arg6[%add3A_104, %dma_start3A_202] : memref<64x16384xf32, #tpu.memory_space<hbm>> -> memref<1x4096xf32, #tpu.memory_space<hbm>>
    %dma_start3A_204 = tpu.memref_squeeze %dma_start3A_203 : memref<1x4096xf32, #tpu.memory_space<hbm>> -> memref<4096xf32, #tpu.memory_space<hbm>>
    %dma_start3A_205 = arith.constant 12288 : i32
    %dma_start3A_206 = tpu.memref_slice %arg6[%add3A_104, %dma_start3A_205] : memref<64x16384xf32, #tpu.memory_space<hbm>> -> memref<1x4096xf32, #tpu.memory_space<hbm>>
    %dma_start3A_207 = tpu.memref_squeeze %dma_start3A_206 : memref<1x4096xf32, #tpu.memory_space<hbm>> -> memref<4096xf32, #tpu.memory_space<hbm>>
    %dma_start3A_208 = arith.constant 12288 : i32
    %dma_start3A_209 = tpu.memref_slice %arg9[%dma_start3A_198, %dma_start3A_208] : memref<2x16384xf32, #tpu.memory_space<vmem>> -> memref<1x4096xf32, #tpu.memory_space<vmem>>
    %dma_start3A_210 = tpu.memref_squeeze %dma_start3A_209 : memref<1x4096xf32, #tpu.memory_space<vmem>> -> memref<4096xf32, #tpu.memory_space<vmem>>
    tpu.enqueue_dma source(%dma_start3A_210 : memref<4096xf32, #tpu.memory_space<vmem>>) target(%dma_start3A_207 : memref<4096xf32, #tpu.memory_space<hbm>>) target_semaphore(%arg12 : memref<!tpu.dma_semaphore, #tpu.memory_space<semaphore_mem>>)
    %mul3A_211 = arith.constant 2 : i32
    %mul3A_212 = arith.muli %add3A, %mul3A_211 : i32
    %add3A_213 = arith.constant 1 : i32
    %add3A_214 = arith.addi %mul3A_212, %add3A_213 : i32
    %dma_wait3A_215 = arith.constant 0 : i32
    %dma_wait3A_216 = arith.constant 1 : i32
    %dma_wait3A_217 = arith.constant 0 : i32
    %dma_wait3A_218 = tpu.memref_slice %arg9[%dma_wait3A_216, %dma_wait3A_217] : memref<2x16384xf32, #tpu.memory_space<vmem>> -> memref<1x4096xf32, #tpu.memory_space<vmem>>
    %dma_wait3A_219 = tpu.memref_squeeze %dma_wait3A_218 : memref<1x4096xf32, #tpu.memory_space<vmem>> -> memref<4096xf32, #tpu.memory_space<vmem>>
    %dma_wait3A_220 = arith.constant 0 : i32
    %dma_wait3A_221 = tpu.memref_slice %arg2[%dma_wait3A_215, %dma_wait3A_220] : memref<64x16384xf32, #tpu.memory_space<hbm>> -> memref<1x4096xf32, #tpu.memory_space<hbm>>
    %dma_wait3A_222 = tpu.memref_squeeze %dma_wait3A_221 : memref<1x4096xf32, #tpu.memory_space<hbm>> -> memref<4096xf32, #tpu.memory_space<hbm>>
    %dma_wait3A_223 = arith.constant 0 : i32
    %dma_wait3A_224 = tpu.memref_slice %arg9[%dma_wait3A_216, %dma_wait3A_223] : memref<2x16384xf32, #tpu.memory_space<vmem>> -> memref<1x4096xf32, #tpu.memory_space<vmem>>
    %dma_wait3A_225 = tpu.memref_squeeze %dma_wait3A_224 : memref<1x4096xf32, #tpu.memory_space<vmem>> -> memref<4096xf32, #tpu.memory_space<vmem>>
    %dma_wait3A_226 = arith.constant 0 : i32
    %dma_wait3A_227 = tpu.memref_slice %arg2[%dma_wait3A_215, %dma_wait3A_226] : memref<64x16384xf32, #tpu.memory_space<hbm>> -> memref<1x4096xf32, #tpu.memory_space<hbm>>
    %dma_wait3A_228 = tpu.memref_squeeze %dma_wait3A_227 : memref<1x4096xf32, #tpu.memory_space<hbm>> -> memref<4096xf32, #tpu.memory_space<hbm>>
    tpu.wait_dma2 semaphore(%arg11 : memref<!tpu.dma_semaphore, #tpu.memory_space<semaphore_mem>>) src(%dma_wait3A_228 : memref<4096xf32, #tpu.memory_space<hbm>>) dst(%dma_wait3A_225 : memref<4096xf32, #tpu.memory_space<vmem>>)
    %dma_start3A_229 = arith.constant 1 : i32
    %dma_start3A_230 = arith.constant 0 : i32
    %dma_start3A_231 = tpu.memref_slice %arg9[%dma_start3A_229, %dma_start3A_230] : memref<2x16384xf32, #tpu.memory_space<vmem>> -> memref<1x4096xf32, #tpu.memory_space<vmem>>
    %dma_start3A_232 = tpu.memref_squeeze %dma_start3A_231 : memref<1x4096xf32, #tpu.memory_space<vmem>> -> memref<4096xf32, #tpu.memory_space<vmem>>
    %dma_start3A_233 = arith.constant 0 : i32
    %dma_start3A_234 = tpu.memref_slice %arg6[%add3A_214, %dma_start3A_233] : memref<64x16384xf32, #tpu.memory_space<hbm>> -> memref<1x4096xf32, #tpu.memory_space<hbm>>
    %dma_start3A_235 = tpu.memref_squeeze %dma_start3A_234 : memref<1x4096xf32, #tpu.memory_space<hbm>> -> memref<4096xf32, #tpu.memory_space<hbm>>
    %dma_start3A_236 = arith.constant 0 : i32
    %dma_start3A_237 = tpu.memref_slice %arg6[%add3A_214, %dma_start3A_236] : memref<64x16384xf32, #tpu.memory_space<hbm>> -> memref<1x4096xf32, #tpu.memory_space<hbm>>
    %dma_start3A_238 = tpu.memref_squeeze %dma_start3A_237 : memref<1x4096xf32, #tpu.memory_space<hbm>> -> memref<4096xf32, #tpu.memory_space<hbm>>
    %dma_start3A_239 = arith.constant 0 : i32
    %dma_start3A_240 = tpu.memref_slice %arg9[%dma_start3A_229, %dma_start3A_239] : memref<2x16384xf32, #tpu.memory_space<vmem>> -> memref<1x4096xf32, #tpu.memory_space<vmem>>
    %dma_start3A_241 = tpu.memref_squeeze %dma_start3A_240 : memref<1x4096xf32, #tpu.memory_space<vmem>> -> memref<4096xf32, #tpu.memory_space<vmem>>
    tpu.enqueue_dma source(%dma_start3A_241 : memref<4096xf32, #tpu.memory_space<vmem>>) target(%dma_start3A_238 : memref<4096xf32, #tpu.memory_space<hbm>>) target_semaphore(%arg13 : memref<!tpu.dma_semaphore, #tpu.memory_space<semaphore_mem>>)
    %dma_wait3A_242 = arith.constant 0 : i32
    %dma_wait3A_243 = arith.constant 1 : i32
    %dma_wait3A_244 = arith.constant 4096 : i32
    %dma_wait3A_245 = tpu.memref_slice %arg9[%dma_wait3A_243, %dma_wait3A_244] : memref<2x16384xf32, #tpu.memory_space<vmem>> -> memref<1x4096xf32, #tpu.memory_space<vmem>>
    %dma_wait3A_246 = tpu.memref_squeeze %dma_wait3A_245 : memref<1x4096xf32, #tpu.memory_space<vmem>> -> memref<4096xf32, #tpu.memory_space<vmem>>
    %dma_wait3A_247 = arith.constant 0 : i32
    %dma_wait3A_248 = tpu.memref_slice %arg2[%dma_wait3A_242, %dma_wait3A_247] : memref<64x16384xf32, #tpu.memory_space<hbm>> -> memref<1x4096xf32, #tpu.memory_space<hbm>>
    %dma_wait3A_249 = tpu.memref_squeeze %dma_wait3A_248 : memref<1x4096xf32, #tpu.memory_space<hbm>> -> memref<4096xf32, #tpu.memory_space<hbm>>
    %dma_wait3A_250 = arith.constant 4096 : i32
    %dma_wait3A_251 = tpu.memref_slice %arg9[%dma_wait3A_243, %dma_wait3A_250] : memref<2x16384xf32, #tpu.memory_space<vmem>> -> memref<1x4096xf32, #tpu.memory_space<vmem>>
    %dma_wait3A_252 = tpu.memref_squeeze %dma_wait3A_251 : memref<1x4096xf32, #tpu.memory_space<vmem>> -> memref<4096xf32, #tpu.memory_space<vmem>>
    %dma_wait3A_253 = arith.constant 0 : i32
    %dma_wait3A_254 = tpu.memref_slice %arg2[%dma_wait3A_242, %dma_wait3A_253] : memref<64x16384xf32, #tpu.memory_space<hbm>> -> memref<1x4096xf32, #tpu.memory_space<hbm>>
    %dma_wait3A_255 = tpu.memref_squeeze %dma_wait3A_254 : memref<1x4096xf32, #tpu.memory_space<hbm>> -> memref<4096xf32, #tpu.memory_space<hbm>>
    tpu.wait_dma2 semaphore(%arg11 : memref<!tpu.dma_semaphore, #tpu.memory_space<semaphore_mem>>) src(%dma_wait3A_255 : memref<4096xf32, #tpu.memory_space<hbm>>) dst(%dma_wait3A_252 : memref<4096xf32, #tpu.memory_space<vmem>>)
    %dma_start3A_256 = arith.constant 1 : i32
    %dma_start3A_257 = arith.constant 4096 : i32
    %dma_start3A_258 = tpu.memref_slice %arg9[%dma_start3A_256, %dma_start3A_257] : memref<2x16384xf32, #tpu.memory_space<vmem>> -> memref<1x4096xf32, #tpu.memory_space<vmem>>
    %dma_start3A_259 = tpu.memref_squeeze %dma_start3A_258 : memref<1x4096xf32, #tpu.memory_space<vmem>> -> memref<4096xf32, #tpu.memory_space<vmem>>
    %dma_start3A_260 = arith.constant 4096 : i32
    %dma_start3A_261 = tpu.memref_slice %arg6[%add3A_214, %dma_start3A_260] : memref<64x16384xf32, #tpu.memory_space<hbm>> -> memref<1x4096xf32, #tpu.memory_space<hbm>>
    %dma_start3A_262 = tpu.memref_squeeze %dma_start3A_261 : memref<1x4096xf32, #tpu.memory_space<hbm>> -> memref<4096xf32, #tpu.memory_space<hbm>>
    %dma_start3A_263 = arith.constant 4096 : i32
    %dma_start3A_264 = tpu.memref_slice %arg6[%add3A_214, %dma_start3A_263] : memref<64x16384xf32, #tpu.memory_space<hbm>> -> memref<1x4096xf32, #tpu.memory_space<hbm>>
    %dma_start3A_265 = tpu.memref_squeeze %dma_start3A_264 : memref<1x4096xf32, #tpu.memory_space<hbm>> -> memref<4096xf32, #tpu.memory_space<hbm>>
    %dma_start3A_266 = arith.constant 4096 : i32
    %dma_start3A_267 = tpu.memref_slice %arg9[%dma_start3A_256, %dma_start3A_266] : memref<2x16384xf32, #tpu.memory_space<vmem>> -> memref<1x4096xf32, #tpu.memory_space<vmem>>
    %dma_start3A_268 = tpu.memref_squeeze %dma_start3A_267 : memref<1x4096xf32, #tpu.memory_space<vmem>> -> memref<4096xf32, #tpu.memory_space<vmem>>
    tpu.enqueue_dma source(%dma_start3A_268 : memref<4096xf32, #tpu.memory_space<vmem>>) target(%dma_start3A_265 : memref<4096xf32, #tpu.memory_space<hbm>>) target_semaphore(%arg13 : memref<!tpu.dma_semaphore, #tpu.memory_space<semaphore_mem>>)
    %dma_wait3A_269 = arith.constant 0 : i32
    %dma_wait3A_270 = arith.constant 1 : i32
    %dma_wait3A_271 = arith.constant 8192 : i32
    %dma_wait3A_272 = tpu.memref_slice %arg9[%dma_wait3A_270, %dma_wait3A_271] : memref<2x16384xf32, #tpu.memory_space<vmem>> -> memref<1x4096xf32, #tpu.memory_space<vmem>>
    %dma_wait3A_273 = tpu.memref_squeeze %dma_wait3A_272 : memref<1x4096xf32, #tpu.memory_space<vmem>> -> memref<4096xf32, #tpu.memory_space<vmem>>
    %dma_wait3A_274 = arith.constant 0 : i32
    %dma_wait3A_275 = tpu.memref_slice %arg2[%dma_wait3A_269, %dma_wait3A_274] : memref<64x16384xf32, #tpu.memory_space<hbm>> -> memref<1x4096xf32, #tpu.memory_space<hbm>>
    %dma_wait3A_276 = tpu.memref_squeeze %dma_wait3A_275 : memref<1x4096xf32, #tpu.memory_space<hbm>> -> memref<4096xf32, #tpu.memory_space<hbm>>
    %dma_wait3A_277 = arith.constant 8192 : i32
    %dma_wait3A_278 = tpu.memref_slice %arg9[%dma_wait3A_270, %dma_wait3A_277] : memref<2x16384xf32, #tpu.memory_space<vmem>> -> memref<1x4096xf32, #tpu.memory_space<vmem>>
    %dma_wait3A_279 = tpu.memref_squeeze %dma_wait3A_278 : memref<1x4096xf32, #tpu.memory_space<vmem>> -> memref<4096xf32, #tpu.memory_space<vmem>>
    %dma_wait3A_280 = arith.constant 0 : i32
    %dma_wait3A_281 = tpu.memref_slice %arg2[%dma_wait3A_269, %dma_wait3A_280] : memref<64x16384xf32, #tpu.memory_space<hbm>> -> memref<1x4096xf32, #tpu.memory_space<hbm>>
    %dma_wait3A_282 = tpu.memref_squeeze %dma_wait3A_281 : memref<1x4096xf32, #tpu.memory_space<hbm>> -> memref<4096xf32, #tpu.memory_space<hbm>>
    tpu.wait_dma2 semaphore(%arg11 : memref<!tpu.dma_semaphore, #tpu.memory_space<semaphore_mem>>) src(%dma_wait3A_282 : memref<4096xf32, #tpu.memory_space<hbm>>) dst(%dma_wait3A_279 : memref<4096xf32, #tpu.memory_space<vmem>>)
    %dma_start3A_283 = arith.constant 1 : i32
    %dma_start3A_284 = arith.constant 8192 : i32
    %dma_start3A_285 = tpu.memref_slice %arg9[%dma_start3A_283, %dma_start3A_284] : memref<2x16384xf32, #tpu.memory_space<vmem>> -> memref<1x4096xf32, #tpu.memory_space<vmem>>
    %dma_start3A_286 = tpu.memref_squeeze %dma_start3A_285 : memref<1x4096xf32, #tpu.memory_space<vmem>> -> memref<4096xf32, #tpu.memory_space<vmem>>
    %dma_start3A_287 = arith.constant 8192 : i32
    %dma_start3A_288 = tpu.memref_slice %arg6[%add3A_214, %dma_start3A_287] : memref<64x16384xf32, #tpu.memory_space<hbm>> -> memref<1x4096xf32, #tpu.memory_space<hbm>>
    %dma_start3A_289 = tpu.memref_squeeze %dma_start3A_288 : memref<1x4096xf32, #tpu.memory_space<hbm>> -> memref<4096xf32, #tpu.memory_space<hbm>>
    %dma_start3A_290 = arith.constant 8192 : i32
    %dma_start3A_291 = tpu.memref_slice %arg6[%add3A_214, %dma_start3A_290] : memref<64x16384xf32, #tpu.memory_space<hbm>> -> memref<1x4096xf32, #tpu.memory_space<hbm>>
    %dma_start3A_292 = tpu.memref_squeeze %dma_start3A_291 : memref<1x4096xf32, #tpu.memory_space<hbm>> -> memref<4096xf32, #tpu.memory_space<hbm>>
    %dma_start3A_293 = arith.constant 8192 : i32
    %dma_start3A_294 = tpu.memref_slice %arg9[%dma_start3A_283, %dma_start3A_293] : memref<2x16384xf32, #tpu.memory_space<vmem>> -> memref<1x4096xf32, #tpu.memory_space<vmem>>
    %dma_start3A_295 = tpu.memref_squeeze %dma_start3A_294 : memref<1x4096xf32, #tpu.memory_space<vmem>> -> memref<4096xf32, #tpu.memory_space<vmem>>
    tpu.enqueue_dma source(%dma_start3A_295 : memref<4096xf32, #tpu.memory_space<vmem>>) target(%dma_start3A_292 : memref<4096xf32, #tpu.memory_space<hbm>>) target_semaphore(%arg13 : memref<!tpu.dma_semaphore, #tpu.memory_space<semaphore_mem>>)
    %dma_wait3A_296 = arith.constant 0 : i32
    %dma_wait3A_297 = arith.constant 1 : i32
    %dma_wait3A_298 = arith.constant 12288 : i32
    %dma_wait3A_299 = tpu.memref_slice %arg9[%dma_wait3A_297, %dma_wait3A_298] : memref<2x16384xf32, #tpu.memory_space<vmem>> -> memref<1x4096xf32, #tpu.memory_space<vmem>>
    %dma_wait3A_300 = tpu.memref_squeeze %dma_wait3A_299 : memref<1x4096xf32, #tpu.memory_space<vmem>> -> memref<4096xf32, #tpu.memory_space<vmem>>
    %dma_wait3A_301 = arith.constant 0 : i32
    %dma_wait3A_302 = tpu.memref_slice %arg2[%dma_wait3A_296, %dma_wait3A_301] : memref<64x16384xf32, #tpu.memory_space<hbm>> -> memref<1x4096xf32, #tpu.memory_space<hbm>>
    %dma_wait3A_303 = tpu.memref_squeeze %dma_wait3A_302 : memref<1x4096xf32, #tpu.memory_space<hbm>> -> memref<4096xf32, #tpu.memory_space<hbm>>
    %dma_wait3A_304 = arith.constant 12288 : i32
    %dma_wait3A_305 = tpu.memref_slice %arg9[%dma_wait3A_297, %dma_wait3A_304] : memref<2x16384xf32, #tpu.memory_space<vmem>> -> memref<1x4096xf32, #tpu.memory_space<vmem>>
    %dma_wait3A_306 = tpu.memref_squeeze %dma_wait3A_305 : memref<1x4096xf32, #tpu.memory_space<vmem>> -> memref<4096xf32, #tpu.memory_space<vmem>>
    %dma_wait3A_307 = arith.constant 0 : i32
    %dma_wait3A_308 = tpu.memref_slice %arg2[%dma_wait3A_296, %dma_wait3A_307] : memref<64x16384xf32, #tpu.memory_space<hbm>> -> memref<1x4096xf32, #tpu.memory_space<hbm>>
    %dma_wait3A_309 = tpu.memref_squeeze %dma_wait3A_308 : memref<1x4096xf32, #tpu.memory_space<hbm>> -> memref<4096xf32, #tpu.memory_space<hbm>>
    tpu.wait_dma2 semaphore(%arg11 : memref<!tpu.dma_semaphore, #tpu.memory_space<semaphore_mem>>) src(%dma_wait3A_309 : memref<4096xf32, #tpu.memory_space<hbm>>) dst(%dma_wait3A_306 : memref<4096xf32, #tpu.memory_space<vmem>>)
    %dma_start3A_310 = arith.constant 1 : i32
    %dma_start3A_311 = arith.constant 12288 : i32
    %dma_start3A_312 = tpu.memref_slice %arg9[%dma_start3A_310, %dma_start3A_311] : memref<2x16384xf32, #tpu.memory_space<vmem>> -> memref<1x4096xf32, #tpu.memory_space<vmem>>
    %dma_start3A_313 = tpu.memref_squeeze %dma_start3A_312 : memref<1x4096xf32, #tpu.memory_space<vmem>> -> memref<4096xf32, #tpu.memory_space<vmem>>
    %dma_start3A_314 = arith.constant 12288 : i32
    %dma_start3A_315 = tpu.memref_slice %arg6[%add3A_214, %dma_start3A_314] : memref<64x16384xf32, #tpu.memory_space<hbm>> -> memref<1x4096xf32, #tpu.memory_space<hbm>>
    %dma_start3A_316 = tpu.memref_squeeze %dma_start3A_315 : memref<1x4096xf32, #tpu.memory_space<hbm>> -> memref<4096xf32, #tpu.memory_space<hbm>>
    %dma_start3A_317 = arith.constant 12288 : i32
    %dma_start3A_318 = tpu.memref_slice %arg6[%add3A_214, %dma_start3A_317] : memref<64x16384xf32, #tpu.memory_space<hbm>> -> memref<1x4096xf32, #tpu.memory_space<hbm>>
    %dma_start3A_319 = tpu.memref_squeeze %dma_start3A_318 : memref<1x4096xf32, #tpu.memory_space<hbm>> -> memref<4096xf32, #tpu.memory_space<hbm>>
    %dma_start3A_320 = arith.constant 12288 : i32
    %dma_start3A_321 = tpu.memref_slice %arg9[%dma_start3A_310, %dma_start3A_320] : memref<2x16384xf32, #tpu.memory_space<vmem>> -> memref<1x4096xf32, #tpu.memory_space<vmem>>
    %dma_start3A_322 = tpu.memref_squeeze %dma_start3A_321 : memref<1x4096xf32, #tpu.memory_space<vmem>> -> memref<4096xf32, #tpu.memory_space<vmem>>
    tpu.enqueue_dma source(%dma_start3A_322 : memref<4096xf32, #tpu.memory_space<vmem>>) target(%dma_start3A_319 : memref<4096xf32, #tpu.memory_space<hbm>>) target_semaphore(%arg13 : memref<!tpu.dma_semaphore, #tpu.memory_space<semaphore_mem>>)
    %mul3A_323 = arith.constant 2 : i32
    %mul3A_324 = arith.muli %add3A, %mul3A_323 : i32
    %add3A_325 = arith.constant 0 : i32
    %add3A_326 = arith.addi %mul3A_324, %add3A_325 : i32
    %dma_wait3A_327 = arith.constant 0 : i32
    %dma_wait3A_328 = arith.constant 0 : i32
    %dma_wait3A_329 = tpu.memref_slice %arg9[%dma_wait3A_327, %dma_wait3A_328] : memref<2x16384xf32, #tpu.memory_space<vmem>> -> memref<1x4096xf32, #tpu.memory_space<vmem>>
    %dma_wait3A_330 = tpu.memref_squeeze %dma_wait3A_329 : memref<1x4096xf32, #tpu.memory_space<vmem>> -> memref<4096xf32, #tpu.memory_space<vmem>>
    %dma_wait3A_331 = arith.constant 0 : i32
    %dma_wait3A_332 = tpu.memref_slice %arg6[%add3A_326, %dma_wait3A_331] : memref<64x16384xf32, #tpu.memory_space<hbm>> -> memref<1x4096xf32, #tpu.memory_space<hbm>>
    %dma_wait3A_333 = tpu.memref_squeeze %dma_wait3A_332 : memref<1x4096xf32, #tpu.memory_space<hbm>> -> memref<4096xf32, #tpu.memory_space<hbm>>
    %dma_wait3A_334 = arith.constant 0 : i32
    %dma_wait3A_335 = tpu.memref_slice %arg6[%add3A_326, %dma_wait3A_334] : memref<64x16384xf32, #tpu.memory_space<hbm>> -> memref<1x4096xf32, #tpu.memory_space<hbm>>
    %dma_wait3A_336 = tpu.memref_squeeze %dma_wait3A_335 : memref<1x4096xf32, #tpu.memory_space<hbm>> -> memref<4096xf32, #tpu.memory_space<hbm>>
    %dma_wait3A_337 = arith.constant 0 : i32
    %dma_wait3A_338 = tpu.memref_slice %arg9[%dma_wait3A_327, %dma_wait3A_337] : memref<2x16384xf32, #tpu.memory_space<vmem>> -> memref<1x4096xf32, #tpu.memory_space<vmem>>
    %dma_wait3A_339 = tpu.memref_squeeze %dma_wait3A_338 : memref<1x4096xf32, #tpu.memory_space<vmem>> -> memref<4096xf32, #tpu.memory_space<vmem>>
    tpu.wait_dma2 semaphore(%arg12 : memref<!tpu.dma_semaphore, #tpu.memory_space<semaphore_mem>>) src(%dma_wait3A_339 : memref<4096xf32, #tpu.memory_space<vmem>>) dst(%dma_wait3A_336 : memref<4096xf32, #tpu.memory_space<hbm>>)
    %dma_wait3A_340 = arith.constant 0 : i32
    %dma_wait3A_341 = arith.constant 4096 : i32
    %dma_wait3A_342 = tpu.memref_slice %arg9[%dma_wait3A_340, %dma_wait3A_341] : memref<2x16384xf32, #tpu.memory_space<vmem>> -> memref<1x4096xf32, #tpu.memory_space<vmem>>
    %dma_wait3A_343 = tpu.memref_squeeze %dma_wait3A_342 : memref<1x4096xf32, #tpu.memory_space<vmem>> -> memref<4096xf32, #tpu.memory_space<vmem>>
    %dma_wait3A_344 = arith.constant 4096 : i32
    %dma_wait3A_345 = tpu.memref_slice %arg6[%add3A_326, %dma_wait3A_344] : memref<64x16384xf32, #tpu.memory_space<hbm>> -> memref<1x4096xf32, #tpu.memory_space<hbm>>
    %dma_wait3A_346 = tpu.memref_squeeze %dma_wait3A_345 : memref<1x4096xf32, #tpu.memory_space<hbm>> -> memref<4096xf32, #tpu.memory_space<hbm>>
    %dma_wait3A_347 = arith.constant 4096 : i32
    %dma_wait3A_348 = tpu.memref_slice %arg6[%add3A_326, %dma_wait3A_347] : memref<64x16384xf32, #tpu.memory_space<hbm>> -> memref<1x4096xf32, #tpu.memory_space<hbm>>
    %dma_wait3A_349 = tpu.memref_squeeze %dma_wait3A_348 : memref<1x4096xf32, #tpu.memory_space<hbm>> -> memref<4096xf32, #tpu.memory_space<hbm>>
    %dma_wait3A_350 = arith.constant 4096 : i32
    %dma_wait3A_351 = tpu.memref_slice %arg9[%dma_wait3A_340, %dma_wait3A_350] : memref<2x16384xf32, #tpu.memory_space<vmem>> -> memref<1x4096xf32, #tpu.memory_space<vmem>>
    %dma_wait3A_352 = tpu.memref_squeeze %dma_wait3A_351 : memref<1x4096xf32, #tpu.memory_space<vmem>> -> memref<4096xf32, #tpu.memory_space<vmem>>
    tpu.wait_dma2 semaphore(%arg12 : memref<!tpu.dma_semaphore, #tpu.memory_space<semaphore_mem>>) src(%dma_wait3A_352 : memref<4096xf32, #tpu.memory_space<vmem>>) dst(%dma_wait3A_349 : memref<4096xf32, #tpu.memory_space<hbm>>)
    %dma_wait3A_353 = arith.constant 0 : i32
    %dma_wait3A_354 = arith.constant 8192 : i32
    %dma_wait3A_355 = tpu.memref_slice %arg9[%dma_wait3A_353, %dma_wait3A_354] : memref<2x16384xf32, #tpu.memory_space<vmem>> -> memref<1x4096xf32, #tpu.memory_space<vmem>>
    %dma_wait3A_356 = tpu.memref_squeeze %dma_wait3A_355 : memref<1x4096xf32, #tpu.memory_space<vmem>> -> memref<4096xf32, #tpu.memory_space<vmem>>
    %dma_wait3A_357 = arith.constant 8192 : i32
    %dma_wait3A_358 = tpu.memref_slice %arg6[%add3A_326, %dma_wait3A_357] : memref<64x16384xf32, #tpu.memory_space<hbm>> -> memref<1x4096xf32, #tpu.memory_space<hbm>>
    %dma_wait3A_359 = tpu.memref_squeeze %dma_wait3A_358 : memref<1x4096xf32, #tpu.memory_space<hbm>> -> memref<4096xf32, #tpu.memory_space<hbm>>
    %dma_wait3A_360 = arith.constant 8192 : i32
    %dma_wait3A_361 = tpu.memref_slice %arg6[%add3A_326, %dma_wait3A_360] : memref<64x16384xf32, #tpu.memory_space<hbm>> -> memref<1x4096xf32, #tpu.memory_space<hbm>>
    %dma_wait3A_362 = tpu.memref_squeeze %dma_wait3A_361 : memref<1x4096xf32, #tpu.memory_space<hbm>> -> memref<4096xf32, #tpu.memory_space<hbm>>
    %dma_wait3A_363 = arith.constant 8192 : i32
    %dma_wait3A_364 = tpu.memref_slice %arg9[%dma_wait3A_353, %dma_wait3A_363] : memref<2x16384xf32, #tpu.memory_space<vmem>> -> memref<1x4096xf32, #tpu.memory_space<vmem>>
    %dma_wait3A_365 = tpu.memref_squeeze %dma_wait3A_364 : memref<1x4096xf32, #tpu.memory_space<vmem>> -> memref<4096xf32, #tpu.memory_space<vmem>>
    tpu.wait_dma2 semaphore(%arg12 : memref<!tpu.dma_semaphore, #tpu.memory_space<semaphore_mem>>) src(%dma_wait3A_365 : memref<4096xf32, #tpu.memory_space<vmem>>) dst(%dma_wait3A_362 : memref<4096xf32, #tpu.memory_space<hbm>>)
    %dma_wait3A_366 = arith.constant 0 : i32
    %dma_wait3A_367 = arith.constant 12288 : i32
    %dma_wait3A_368 = tpu.memref_slice %arg9[%dma_wait3A_366, %dma_wait3A_367] : memref<2x16384xf32, #tpu.memory_space<vmem>> -> memref<1x4096xf32, #tpu.memory_space<vmem>>
    %dma_wait3A_369 = tpu.memref_squeeze %dma_wait3A_368 : memref<1x4096xf32, #tpu.memory_space<vmem>> -> memref<4096xf32, #tpu.memory_space<vmem>>
    %dma_wait3A_370 = arith.constant 12288 : i32
    %dma_wait3A_371 = tpu.memref_slice %arg6[%add3A_326, %dma_wait3A_370] : memref<64x16384xf32, #tpu.memory_space<hbm>> -> memref<1x4096xf32, #tpu.memory_space<hbm>>
    %dma_wait3A_372 = tpu.memref_squeeze %dma_wait3A_371 : memref<1x4096xf32, #tpu.memory_space<hbm>> -> memref<4096xf32, #tpu.memory_space<hbm>>
    %dma_wait3A_373 = arith.constant 12288 : i32
    %dma_wait3A_374 = tpu.memref_slice %arg6[%add3A_326, %dma_wait3A_373] : memref<64x16384xf32, #tpu.memory_space<hbm>> -> memref<1x4096xf32, #tpu.memory_space<hbm>>
    %dma_wait3A_375 = tpu.memref_squeeze %dma_wait3A_374 : memref<1x4096xf32, #tpu.memory_space<hbm>> -> memref<4096xf32, #tpu.memory_space<hbm>>
    %dma_wait3A_376 = arith.constant 12288 : i32
    %dma_wait3A_377 = tpu.memref_slice %arg9[%dma_wait3A_366, %dma_wait3A_376] : memref<2x16384xf32, #tpu.memory_space<vmem>> -> memref<1x4096xf32, #tpu.memory_space<vmem>>
    %dma_wait3A_378 = tpu.memref_squeeze %dma_wait3A_377 : memref<1x4096xf32, #tpu.memory_space<vmem>> -> memref<4096xf32, #tpu.memory_space<vmem>>
    tpu.wait_dma2 semaphore(%arg12 : memref<!tpu.dma_semaphore, #tpu.memory_space<semaphore_mem>>) src(%dma_wait3A_378 : memref<4096xf32, #tpu.memory_space<vmem>>) dst(%dma_wait3A_375 : memref<4096xf32, #tpu.memory_space<hbm>>)
    %mul3A_379 = arith.constant 2 : i32
    %mul3A_380 = arith.muli %add3A, %mul3A_379 : i32
    %add3A_381 = arith.constant 1 : i32
    %add3A_382 = arith.addi %mul3A_380, %add3A_381 : i32
    %dma_wait3A_383 = arith.constant 1 : i32
    %dma_wait3A_384 = arith.constant 0 : i32
    %dma_wait3A_385 = tpu.memref_slice %arg9[%dma_wait3A_383, %dma_wait3A_384] : memref<2x16384xf32, #tpu.memory_space<vmem>> -> memref<1x4096xf32, #tpu.memory_space<vmem>>
    %dma_wait3A_386 = tpu.memref_squeeze %dma_wait3A_385 : memref<1x4096xf32, #tpu.memory_space<vmem>> -> memref<4096xf32, #tpu.memory_space<vmem>>
    %dma_wait3A_387 = arith.constant 0 : i32
    %dma_wait3A_388 = tpu.memref_slice %arg6[%add3A_382, %dma_wait3A_387] : memref<64x16384xf32, #tpu.memory_space<hbm>> -> memref<1x4096xf32, #tpu.memory_space<hbm>>
    %dma_wait3A_389 = tpu.memref_squeeze %dma_wait3A_388 : memref<1x4096xf32, #tpu.memory_space<hbm>> -> memref<4096xf32, #tpu.memory_space<hbm>>
    %dma_wait3A_390 = arith.constant 0 : i32
    %dma_wait3A_391 = tpu.memref_slice %arg6[%add3A_382, %dma_wait3A_390] : memref<64x16384xf32, #tpu.memory_space<hbm>> -> memref<1x4096xf32, #tpu.memory_space<hbm>>
    %dma_wait3A_392 = tpu.memref_squeeze %dma_wait3A_391 : memref<1x4096xf32, #tpu.memory_space<hbm>> -> memref<4096xf32, #tpu.memory_space<hbm>>
    %dma_wait3A_393 = arith.constant 0 : i32
    %dma_wait3A_394 = tpu.memref_slice %arg9[%dma_wait3A_383, %dma_wait3A_393] : memref<2x16384xf32, #tpu.memory_space<vmem>> -> memref<1x4096xf32, #tpu.memory_space<vmem>>
    %dma_wait3A_395 = tpu.memref_squeeze %dma_wait3A_394 : memref<1x4096xf32, #tpu.memory_space<vmem>> -> memref<4096xf32, #tpu.memory_space<vmem>>
    tpu.wait_dma2 semaphore(%arg13 : memref<!tpu.dma_semaphore, #tpu.memory_space<semaphore_mem>>) src(%dma_wait3A_395 : memref<4096xf32, #tpu.memory_space<vmem>>) dst(%dma_wait3A_392 : memref<4096xf32, #tpu.memory_space<hbm>>)
    %dma_wait3A_396 = arith.constant 1 : i32
    %dma_wait3A_397 = arith.constant 4096 : i32
    %dma_wait3A_398 = tpu.memref_slice %arg9[%dma_wait3A_396, %dma_wait3A_397] : memref<2x16384xf32, #tpu.memory_space<vmem>> -> memref<1x4096xf32, #tpu.memory_space<vmem>>
    %dma_wait3A_399 = tpu.memref_squeeze %dma_wait3A_398 : memref<1x4096xf32, #tpu.memory_space<vmem>> -> memref<4096xf32, #tpu.memory_space<vmem>>
    %dma_wait3A_400 = arith.constant 4096 : i32
    %dma_wait3A_401 = tpu.memref_slice %arg6[%add3A_382, %dma_wait3A_400] : memref<64x16384xf32, #tpu.memory_space<hbm>> -> memref<1x4096xf32, #tpu.memory_space<hbm>>
    %dma_wait3A_402 = tpu.memref_squeeze %dma_wait3A_401 : memref<1x4096xf32, #tpu.memory_space<hbm>> -> memref<4096xf32, #tpu.memory_space<hbm>>
    %dma_wait3A_403 = arith.constant 4096 : i32
    %dma_wait3A_404 = tpu.memref_slice %arg6[%add3A_382, %dma_wait3A_403] : memref<64x16384xf32, #tpu.memory_space<hbm>> -> memref<1x4096xf32, #tpu.memory_space<hbm>>
    %dma_wait3A_405 = tpu.memref_squeeze %dma_wait3A_404 : memref<1x4096xf32, #tpu.memory_space<hbm>> -> memref<4096xf32, #tpu.memory_space<hbm>>
    %dma_wait3A_406 = arith.constant 4096 : i32
    %dma_wait3A_407 = tpu.memref_slice %arg9[%dma_wait3A_396, %dma_wait3A_406] : memref<2x16384xf32, #tpu.memory_space<vmem>> -> memref<1x4096xf32, #tpu.memory_space<vmem>>
    %dma_wait3A_408 = tpu.memref_squeeze %dma_wait3A_407 : memref<1x4096xf32, #tpu.memory_space<vmem>> -> memref<4096xf32, #tpu.memory_space<vmem>>
    tpu.wait_dma2 semaphore(%arg13 : memref<!tpu.dma_semaphore, #tpu.memory_space<semaphore_mem>>) src(%dma_wait3A_408 : memref<4096xf32, #tpu.memory_space<vmem>>) dst(%dma_wait3A_405 : memref<4096xf32, #tpu.memory_space<hbm>>)
    %dma_wait3A_409 = arith.constant 1 : i32
    %dma_wait3A_410 = arith.constant 8192 : i32
    %dma_wait3A_411 = tpu.memref_slice %arg9[%dma_wait3A_409, %dma_wait3A_410] : memref<2x16384xf32, #tpu.memory_space<vmem>> -> memref<1x4096xf32, #tpu.memory_space<vmem>>
    %dma_wait3A_412 = tpu.memref_squeeze %dma_wait3A_411 : memref<1x4096xf32, #tpu.memory_space<vmem>> -> memref<4096xf32, #tpu.memory_space<vmem>>
    %dma_wait3A_413 = arith.constant 8192 : i32
    %dma_wait3A_414 = tpu.memref_slice %arg6[%add3A_382, %dma_wait3A_413] : memref<64x16384xf32, #tpu.memory_space<hbm>> -> memref<1x4096xf32, #tpu.memory_space<hbm>>
    %dma_wait3A_415 = tpu.memref_squeeze %dma_wait3A_414 : memref<1x4096xf32, #tpu.memory_space<hbm>> -> memref<4096xf32, #tpu.memory_space<hbm>>
    %dma_wait3A_416 = arith.constant 8192 : i32
    %dma_wait3A_417 = tpu.memref_slice %arg6[%add3A_382, %dma_wait3A_416] : memref<64x16384xf32, #tpu.memory_space<hbm>> -> memref<1x4096xf32, #tpu.memory_space<hbm>>
    %dma_wait3A_418 = tpu.memref_squeeze %dma_wait3A_417 : memref<1x4096xf32, #tpu.memory_space<hbm>> -> memref<4096xf32, #tpu.memory_space<hbm>>
    %dma_wait3A_419 = arith.constant 8192 : i32
    %dma_wait3A_420 = tpu.memref_slice %arg9[%dma_wait3A_409, %dma_wait3A_419] : memref<2x16384xf32, #tpu.memory_space<vmem>> -> memref<1x4096xf32, #tpu.memory_space<vmem>>
    %dma_wait3A_421 = tpu.memref_squeeze %dma_wait3A_420 : memref<1x4096xf32, #tpu.memory_space<vmem>> -> memref<4096xf32, #tpu.memory_space<vmem>>
    tpu.wait_dma2 semaphore(%arg13 : memref<!tpu.dma_semaphore, #tpu.memory_space<semaphore_mem>>) src(%dma_wait3A_421 : memref<4096xf32, #tpu.memory_space<vmem>>) dst(%dma_wait3A_418 : memref<4096xf32, #tpu.memory_space<hbm>>)
    %dma_wait3A_422 = arith.constant 1 : i32
    %dma_wait3A_423 = arith.constant 12288 : i32
    %dma_wait3A_424 = tpu.memref_slice %arg9[%dma_wait3A_422, %dma_wait3A_423] : memref<2x16384xf32, #tpu.memory_space<vmem>> -> memref<1x4096xf32, #tpu.memory_space<vmem>>
    %dma_wait3A_425 = tpu.memref_squeeze %dma_wait3A_424 : memref<1x4096xf32, #tpu.memory_space<vmem>> -> memref<4096xf32, #tpu.memory_space<vmem>>
    %dma_wait3A_426 = arith.constant 12288 : i32
    %dma_wait3A_427 = tpu.memref_slice %arg6[%add3A_382, %dma_wait3A_426] : memref<64x16384xf32, #tpu.memory_space<hbm>> -> memref<1x4096xf32, #tpu.memory_space<hbm>>
    %dma_wait3A_428 = tpu.memref_squeeze %dma_wait3A_427 : memref<1x4096xf32, #tpu.memory_space<hbm>> -> memref<4096xf32, #tpu.memory_space<hbm>>
    %dma_wait3A_429 = arith.constant 12288 : i32
    %dma_wait3A_430 = tpu.memref_slice %arg6[%add3A_382, %dma_wait3A_429] : memref<64x16384xf32, #tpu.memory_space<hbm>> -> memref<1x4096xf32, #tpu.memory_space<hbm>>
    %dma_wait3A_431 = tpu.memref_squeeze %dma_wait3A_430 : memref<1x4096xf32, #tpu.memory_space<hbm>> -> memref<4096xf32, #tpu.memory_space<hbm>>
    %dma_wait3A_432 = arith.constant 12288 : i32
    %dma_wait3A_433 = tpu.memref_slice %arg9[%dma_wait3A_422, %dma_wait3A_432] : memref<2x16384xf32, #tpu.memory_space<vmem>> -> memref<1x4096xf32, #tpu.memory_space<vmem>>
    %dma_wait3A_434 = tpu.memref_squeeze %dma_wait3A_433 : memref<1x4096xf32, #tpu.memory_space<vmem>> -> memref<4096xf32, #tpu.memory_space<vmem>>
    tpu.wait_dma2 semaphore(%arg13 : memref<!tpu.dma_semaphore, #tpu.memory_space<semaphore_mem>>) src(%dma_wait3A_434 : memref<4096xf32, #tpu.memory_space<vmem>>) dst(%dma_wait3A_431 : memref<4096xf32, #tpu.memory_space<hbm>>)
    return
  }
}

</mosaic_0001>

<sc_bundles>
// kernel: kernel.3.cloned.1.call-start
scs
__scs_entry_jumppad:
0x0: {  	(pc) =	sbr.rel $0x88, $3  }
0x1: {  	(tag) =	ssettag $0x0;
	lr =	simm.s32 $0x1  }
0x2: {  	[smem:$0x3F9D] =	sst lr;
	_ =	strace $0xD0000000  }
0x3: {  	_ = 	snop  }
0x4: {  	_ = 	snop  }
0x5: {  	_ = 	snop  }
0x6: {  	_ = 	snop  }
0x7: {  	_ = 	snop  }
__scs_overlays_trampoline_lowered:
0x8: {  	[smem:$0x3FAC] =	sst s0  }
0x9: {  	[smem:$0x3FAD] =	sst s1  }
0xa: {  	[smem:$0x3FAE] =	sst s2  }
0xb: {  	[smem:$0x3FAF] =	sst s3  }
0xc: {  	[smem:$0x3FB0] =	sst s4  }
0xd: {  	[smem:$0x3FB1] =	sst s5  }
0xe: {  	[smem:$0x3FB2] =	sst s6  }
0xf: {  	[smem:$0x3FB3] =	sst s7  }
0x10: {  	[smem:$0x3FB4] =	sst s8  }
0x11: {  	[smem:$0x3FB5] =	sst s9;
	s0 =	simm.s32 @!p0 $0x0  }
0x12: {  	s1 =	sld [smem:$0x3F9B];
	s0 =	simm.s32 @p0 $0x1  }
0x13: {  	[smem:$0x3FB6] =	sst s0;
	s0 =	simm.s32 @!p1 $0x0  }
0x14: {  	s2 =	sld [smem:$0x3F9A];
	s0 =	simm.s32 @p1 $0x1  }
0x15: {  	[smem:$0x3FB7] =	sst s0;
	s0 =	simm.s32 @!p2 $0x0  }
0x16: {  	s3 =	sld [smem:$0x3FDB];
	s0 =	simm.s32 @p2 $0x1  }
0x17: {  	s4 =	simm.s32 $0x1BF5;
	[smem:$0x3FB9] =	sst s0  }
0x18: {  	s0 =	sld [smem:$0x3F9C];
	_ =	swait.ge [sflag:s4], $0x0  }
0x19: {  	s7 =	sld [smem:$0x3F9D]  }
0x1a: {  	s8 =	sadd.s32 $0xFFFFE003, lr  }
0x1b: {  	s9 =	sadd.s32 $0xFFFFFEF7, lr;
	s5 =	simm.s32 $0xFFFFFFFF;
	p2 =	slt.u32 s8, $0xFFFFF086  }
0x1c: {  	p1 =	slt.u32 s9, $0xF7A;
	s5 =	simm.s32 @!p2 $0x0  }
0x1d: {  	s5 =	simm.s32 @p1 $0x1;
	p0 =	seq.s32 s7, s2  }
0x1e: {  	s7 =	smul.u32 @!p0 $0xF7A, s2;
	p2 =	seq.s32 @!p0 s5, $0x0  }
0x1f: {  	s9 =	smul.u32 $0xF7A, s1;
	s8 =	simm.s32 @!p0 $0x1BF5;
	p2 =	por !p2, p0  }
0x20: {  	[sflag:s8] =	ssyncset.s32 @!p0 $0xFFFFF086;
	s6 =	sadd.s32 @!p0 s3, s7;
	s7 =	simm.s32 @!p0 $0x108  }
0x21: {  	s3 =	sadd.s32 s3, s9;
	s6 =	sadd.s32 @!p0 $0x88, s6;
	s7 =	simm.s32 @p2 $0x1082  }
0x22: {  	[simem:s7], [sflag:s8] =	dma.local @!p0 [hbm:s6], $0xF7A  }
0x23: {  	s9 =	sor.u32 $0xD0000000, s2;
	s6 =	simm.s32 $0x108;
	_ =	swait.ge @!p0 [sflag:s8], $0x0  }
0x24: {  	s3 =	sadd.s32 $0x88, s3;
	s6 =	simm.s32 @!p1 $0x1082;
	[sflag:s4] =	ssyncset.s32 $0xFFFFF086  }
0x25: {  	[simem:s6], [sflag:s4] =	dma.local [hbm:s3], $0xF7A  }
0x26: {  	[smem:$0x3F9D] =	sst s1;
	(tag) =	ssettag s2;
	_ =	strace s9  }
0x27: {  	s1 =	sld [smem:$0x3FAD]  }
0x28: {  	s2 =	sld [smem:$0x3FAE]  }
0x29: {  	s4 =	sld [smem:$0x3FB0]  }
0x2a: {  	p0 =	seq.s32 s5, $0x0;
	s5 =	sld [smem:$0x3FB1]  }
0x2b: {  	s6 =	sld [smem:$0x3FB2]  }
0x2c: {  	s7 =	sld [smem:$0x3FB3]  }
0x2d: {  	s3 =	simm.s32 $0x108;
	s8 =	sld [smem:$0x3FB4]  }
0x2e: {  	s3 =	simm.s32 @!p0 $0x1082;
	s9 =	sld [smem:$0x3FB5]  }
0x2f: {  	lr =	sadd.s32 s0, s3;
	s0 =	sld [smem:$0x3FAC]  }
0x30: {  	s3 =	sld [smem:$0x3FAF]  }
0x31: {  	[smem:$0x3FB8] =	sst s10  }
0x32: {  	s10 =	sld [smem:$0x3FB6];
	_ =	sdelay $0x3  }
0x33: {  	p0 =	seq.s32 s10, $0x1;
	s10 =	sld [smem:$0x3FB8];
	_ =	sdelay $0x3  }
0x34: {  	[smem:$0x3FB8] =	sst s10  }
0x35: {  	s10 =	sld [smem:$0x3FB7];
	_ =	sdelay $0x3  }
0x36: {  	p1 =	seq.s32 s10, $0x1;
	s10 =	sld [smem:$0x3FB8];
	_ =	sdelay $0x3  }
0x37: {  	[smem:$0x3FB8] =	sst s10  }
0x38: {  	s10 =	sld [smem:$0x3FB9]  }
0x39: {  	_ = 	snop;
	(pc) =	sbr.ind lr, $3  }
0x3a: {  	_ = 	snop  }
0x3b: {  	_ = 	snop  }
0x3c: {  	p2 =	seq.s32 s10, $0x1;
	s10 =	sld [smem:$0x3FB8]  }
0x3d: {  	_ =	shalt  }
0x3e: {  	_ =	shalt  }
0x3f: {  	_ =	shalt  }
0x40: {  	_ =	shalt  }
0x41: {  	_ =	shalt  }
0x42: {  	_ =	shalt  }
0x43: {  	_ =	shalt  }
0x44: {  	_ =	shalt  }
0x45: {  	_ =	shalt  }
0x46: {  	_ =	shalt  }
0x47: {  	_ =	shalt  }
0x48: {  	_ =	shalt  }
0x49: {  	_ =	shalt  }
0x4a: {  	_ =	shalt  }
0x4b: {  	_ =	shalt  }
0x4c: {  	_ =	shalt  }
0x4d: {  	_ =	shalt  }
0x4e: {  	_ =	shalt  }
0x4f: {  	_ =	shalt  }
0x50: {  	_ =	shalt  }
0x51: {  	_ =	shalt  }
0x52: {  	_ =	shalt  }
0x53: {  	_ =	shalt  }
0x54: {  	_ =	shalt  }
0x55: {  	_ =	shalt  }
0x56: {  	_ =	shalt  }
0x57: {  	_ =	shalt  }
0x58: {  	_ =	shalt  }
0x59: {  	_ =	shalt  }
0x5a: {  	_ =	shalt  }
0x5b: {  	_ =	shalt  }
0x5c: {  	_ =	shalt  }
0x5d: {  	_ =	shalt  }
0x5e: {  	_ =	shalt  }
0x5f: {  	_ =	shalt  }
0x60: {  	_ =	shalt  }
0x61: {  	_ =	shalt  }
0x62: {  	_ =	shalt  }
0x63: {  	_ =	shalt  }
0x64: {  	_ =	shalt  }
0x65: {  	_ =	shalt  }
0x66: {  	_ =	shalt  }
0x67: {  	_ =	shalt  }
0x68: {  	_ =	shalt  }
0x69: {  	_ =	shalt  }
0x6a: {  	_ =	shalt  }
0x6b: {  	_ =	shalt  }
0x6c: {  	_ =	shalt  }
0x6d: {  	_ =	shalt  }
0x6e: {  	_ =	shalt  }
0x6f: {  	_ =	shalt  }
0x70: {  	_ =	shalt  }
0x71: {  	_ =	shalt  }
0x72: {  	_ =	shalt  }
0x73: {  	_ =	shalt  }
0x74: {  	_ =	shalt  }
0x75: {  	_ =	shalt  }
0x76: {  	_ =	shalt  }
0x77: {  	_ =	shalt  }
0x78: {  	_ =	shalt  }
0x79: {  	_ =	shalt  }
0x7a: {  	_ =	shalt  }
0x7b: {  	_ =	shalt  }
0x7c: {  	_ =	shalt  }
0x7d: {  	_ =	shalt  }
0x7e: {  	_ =	shalt  }
0x7f: {  	_ =	shalt  }
0x80: {  	_ =	shalt  }
0x81: {  	_ =	shalt  }
0x82: {  	_ =	shalt  }
0x83: {  	_ =	shalt  }
0x84: {  	_ =	shalt  }
0x85: {  	_ =	shalt  }
0x86: {  	_ =	shalt  }
0x87: {  	_ =	shalt  }
.Lfunc_end0:
.L_simem_size_0:
called_computation_lowered:
.L_overlay_start_0:
0x88: {  	s2 =	sld [smem:$0x3FD9]  }
0x89: {  	s3 =	sld [smem:$0x3FFE];
	_ =	sdelay $0x1  }
0x8a: {  	s1 =	srdreg.scid  }
0x8b: {  	s0 =	sand.u32 $0x1, s1  }
0x8c: {  	s18 =	sshll.u32 s0, $0xA;
	s2 =	sadd.s32 s3, s2  }
0x8d: {  	s2 =	sadd.s32 s2, s18  }
0x8e: {  	[smem:$0x3FC4] =	sst s2  }
0x8f: {  	_ = 	snop  }
0x90: {  	s2 =	sld [smem:$0x3FC9]  }
0x91: {  	s19 =	sld [smem:$0x3FC8]  }
0x92: {  	s4 =	sld [smem:$0x3FC7]  }
0x93: {  	s5 =	sld [smem:$0x3FC6]  }
0x94: {  	s6 =	sld [smem:$0x3FD0];
	(tm) =	ssettm $0x1  }
0x95: {  	s7 =	sld [smem:$0x3FFB];
	_ =	sdelay $0x3  }
0x96: {  	_ =	strace s7  }
0x97: {  	s7 =	sld [smem:$0x3FFC];
	_ =	sdelay $0x3  }
0x98: {  	_ =	strace s7  }
0x99: {  	s7 =	sld [smem:$0x3FFD];
	_ =	sdelay $0x3  }
0x9a: {  	_ =	strace s7  }
0x9b: {  	_ =	strace $0x8FFFFFFF  }
0x9c: {  	s20 =	sld [smem:$0x3FDB];
	_ =	sdelay $0x1  }
0x9d: {  	s8 =	simm.s32 $_scs_section_size  }
0x9e: {  	s9 =	simm.s32 $_size__tile_overlayer_lowered;
	s10 =	simm.s32 $_tile_overlayer_lowered  }
0x9f: {  	s23 =	simm.s32 $0x1BFF;
	s22 =	sshll.u32 s10, $0x1;
	s7 =	sadd.s32 s8, s20  }
0xa0: {  	s11 =	simm.s32 $0x0;
	s21 =	sshll.u32 s9, $0x1;
	s9 =	sadd.s32 s22, s7  }
0xa1: {  	[timem:s11], [sflag:s23] =	dma.local [hbm:s9], s21  }
0xa2: {  	_ =	swait.ge [sflag:s23], s21  }
0xa3: {  	s8 =	ssub.s32 $0x0, s21;
	[sflag:s23] =	ssyncset.done $0x0  }
0xa4: {  	[sflag:s23] =	ssyncadd.s32 s8;
	_ =	sdelay $0x1  }
0xa5: {  	s24 =	simm.s32 $0x1B8B  }
0xa6: {  	_ =	swait.ge [sflag:s24], $0x1  }
0xa7: {  	[sflag:s24] =	ssyncset.done $0x0  }
0xa8: {  	s25 =	simm.s32 $0x1B8E;
	[sflag:s24] =	ssyncadd.s32 $0xFFFFFFFF  }
0xa9: {  	s26 =	simm.s32 $execute0_lowered;
	[smem:$0x3FD2] =	sst s25  }
0xaa: {  	s8 =	sshll.u32 s26, $0x1;
	_ =	strace $0x80000046;
	[dreg:$0x1] =	wrdreg $0xFFFFFFFF  }
0xab: {  	s28 =	simm.s32 $_size_execute0_lowered;
	s7 =	sadd.s32 s7, s8;
	[dreg:$0x0] =	wrdreg $0x0  }
0xac: {  	s8 =	sshll.u32 s28, $0x1;
	[dreg:$0x2] =	wrdreg s7  }
0xad: {  	[dreg:$0x3] =	wrdreg s8  }
0xae: {  	[dreg:$0x4] =	wrdreg $0xC0  }
0xaf: {  	_ =	task [dreg:s11], $0x5FFFF  }
0xb0: {  	[dreg:$0x1] =	wrdreg $0xFFFFFFFF  }
0xb1: {  	[dreg:$0x0] =	wrdreg $0x60  }
0xb2: {  	[dreg:$0x2] =	wrdreg s2  }
0xb3: {  	[dreg:$0x3] =	wrdreg s19  }
0xb4: {  	[dreg:$0x4] =	wrdreg s4  }
0xb5: {  	[dreg:$0x5] =	wrdreg s5  }
0xb6: {  	[dreg:$0x6] =	wrdreg s6  }
0xb7: {  	[dreg:$0x7] =	wrdreg $0x9  }
0xb8: {  	_ =	task.clear_ibuf [dreg:s11], $0x8FFFF;
	_ =	strace $0x90000046  }
0xb9: {  	s29 =	simm.s32 $0x9;
	_ =	strace $0x80000048  }
0xba: {  	_ =	swait.ge [sflag:s29], $0x1  }
0xbb: {  	[sflag:s29] =	ssyncadd.s32 $0xFFFFFFFF  }
0xbc: {  	_ =	strace $0x90000048  }
0xbd: {  	_ =	sfence  }
0xbe: {  	s30 =	sld [smem:$0x0];
	_ =	sdelay $0x2  }
0xbf: {  	s31 =	sshll.u32 s1, $0xD;
	s1 =	sshrl.u32 s1, $0x2  }
0xc0: {  	s3 =	sand.u32 $0x4000, s31;
	s1 =	sadd.s32 s1, s30  }
0xc1: {  	s0 =	sor.u32 s3, s0;
	s1 =	sshll.u32 s1, $0x11  }
0xc2: {  	s0 =	sor.u32 s1, s0  }
0xc3: {  	s0 =	sadd.s32 $0x8F2B, s0  }
0xc4: {  	[sflag:s0] =	ssyncadd.remote.s32 $0x1  }
0xc5: {  	_ =	sfence.sel $0xFFFF  }
0xc6: {  	[dreg:$0x0] =	wrdreg $0xFFFFFFFF;
	(pc) =	sbr.abs _section_cstart, $3  }
0xc7: {  	[dreg:$0x1] =	wrdreg $0xFFFFFFFF  }
0xc8: {  	_ =	task.clear_ibuf [dreg:s11], $0x2FFFF;
	_ =	strace $0x9FFFFFFF  }
0xc9: {  	(tm) =	ssettm $0x7FFFFFFF  }
tec
execute0_lowered:
.L_overlay_start_1:
0x0: {  	(tag) =	ssettag $0x1  }
0x1: {  	s13 =	rddreg [dreg:$0x0]  }
0x2: {  	s2 =	rddreg [dreg:$0x1]  }
0x3: {  	s4 =	rddreg [dreg:$0x3]  }
0x4: {  	s0 =	rddreg [dreg:$0x4];
	s1 =	srdreg.scid  }
0x5: {  	s5 =	simm.s32 $0x0;
	s7 =	stileid.u32;
	s24 =	simm.s32 $0x80  }
0x6: {  	s28 =	simm.s32 $0x2;
	s29 =	simm.s32 $0x3;
	s30 =	simm.s32 $0x4  }
0x7: {  	s31 =	simm.s32 $0x0;
	s1 =	sand.u32 $0x1, s1;
	[smem:$0x7FF] =	sst s5  }
0x8: {  	s25 =	sshll.u32 s7, $0x2;
	s8 =	sadd.s32 $0x1000, s2;
	s9 =	sadd.s32 $0x2000, s2  }
0x9: {  	s10 =	sadd.s32 $0x3000, s2;
	s11 =	sadd.s32 $0x1000, s13;
	s12 =	sadd.s32 $0x2000, s13  }
0xa: {  	s13 =	sadd.s32 $0x3000, s13;
	s20 =	sadd.s32 $0x1000, s0;
	s21 =	sadd.s32 $0x2000, s0  }
0xb: {  	s3 =	ssub.s32 $0x2, s1;
	_ =	strace $0x80000047;
	s1 =	sshll.u32 s1, $0x1  }
0xc: {  	s6 =	sshrl.u32 s3, $0x1;
	s19 =	sor.u32 s1, s25;
	s25 =	simm.s32 $0x5  }
0xd: {  	s3 =	ssub.s32 s3, s6;
	s1 =	sshll.u32 s19, $0xE;
	s6 =	sshll.u32 s19, $0x7  }
0xe: {  	s22 =	sor.u32 $0x1, s19;
	[dreg:$0x6] =	wrdreg s19;
	s26 =	sand.u32 $0xE0000, s1  }
0xf: {  	s6 =	sand.u32 $0x300, s6;
	s17 =	sshll.u32 s22, $0x7;
	[dreg:$0x7] =	wrdreg s22  }
0x10: {  	s23 =	smax.u32 s3, $0x1;
	s14 =	sor.u32 s6, s26;
	s6 =	sor.u32 s1, s6  }
0x11: {  	v1 =	vlaneseq.u32;
	s18 =	sand.u32 $0x380, s17;
	s14 =	sshrl.u32 s14, $0x3;
	s6 =	sshrl.u32 s6, $0x3  }
0x12: {  	v3 =	vor.u32 $0x30, v1;
	s7 =	sor.u32 s26, s18;
	s1 =	sor.u32 s1, s18;
	s26 =	simm.s32 $0x1  }
0x13: {  	v4 =	vor.u32 $0x20, v1;
	v5 =	vor.u32 $0x10, v1;
	v0 =	vmov s19;
	s15 =	sadd.s32 s0, s14;
	s16 =	sadd.s32 s14, s20;
	s17 =	sadd.s32 s14, s21  }
0x14: {  	v2 =	vmov s22;
	vm0 =	vgt.u32 v0, v3;
	vm1 =	vgt.u32 v0, v4;
	s6 =	sor.u32 $0x3000, s6;
	s7 =	sshrl.u32 s7, $0x3;
	s1 =	sshrl.u32 s1, $0x3  }
0x15: {  	vm2 =	vgt.u32 v0, v5;
	vm3 =	vgt.u32 v0, v1;
	vm4 =	vgt.u32 v2, v3;
	s18 =	sadd.s32 s0, s6;
	s19 =	sadd.s32 s0, s7;
	s1 =	sor.u32 $0x3000, s1  }
0x16: {  	vm5 =	vgt.u32 v2, v4;
	vm6 =	vgt.u32 v2, v5;
	vm7 =	vgt.u32 v2, v1;
	s20 =	sadd.s32 s7, s20;
	s21 =	sadd.s32 s7, s21;
	s22 =	sadd.s32 s0, s1  }
.LBB2_1:
0x17: {  	[tilespmem:s5], [sflag:$0x5] =	stream.linear.gather [hbm4b:s4+s5], $0x80, $0x38;
	[tilespmem:$0x8100] =	vst v63  }
0x18: {  	s0 =	rddreg [dreg:$0x2]  }
0x19: {  	[tilespmem:s24], [sflag:$0x5] =	stream.linear.gather [hbm4b:s0+s5], $0x80, $0x38;
	[tilespmem:$0x8100] =	vst v63  }
0x1a: {  	_ =	swait.ge [sflag:s25], $0x80  }
0x1b: {  	[sflag:s25] =	ssyncset.done $0x0  }
0x1c: {  	[sflag:s25] =	ssyncadd.s32 $0xFFFFFF80  }
0x1d: {  	_ =	swait.ge [sflag:s25], $0x80  }
0x1e: {  	[sflag:s25] =	ssyncset.done $0x0  }
0x1f: {  	[sflag:s25] =	ssyncadd.s32 $0xFFFFFF80  }
0x20: {  	v6 =	vld.idx.msk [tilespmem:v0+s5+$0x0], $0xffff  }
0x21: {  	v7 =	vld [tilespmem:$0x0]  }
0x22: {  	v8 =	vld [tilespmem:$0x80]  }
0x23: {  	v9 =	vld [tilespmem:$0x10]  }
0x24: {  	v10 =	vld [tilespmem:$0x90]  }
0x25: {  	v11 =	vld [tilespmem:$0x20]  }
0x26: {  	v12 =	vld [tilespmem:$0xA0];
	_ =	sdelay $0x1  }
0x27: {  	vm8 =	veq.s32 v7, v6;
	v7 =	vld [tilespmem:$0x30]  }
0x28: {  	vm9 =	veq.s32 v8, $0x1;
	vm10 =	veq.s32 v9, v6;
	vm11 =	veq.s32 v10, $0x1;
	v8 =	vld [tilespmem:$0xB0]  }
0x29: {  	vm15 =	veq.s32 v11, v6;
	vm14 =	vmand vm10, vm11  }
0x2a: {  	vm12 =	veq.s32 v12, $0x1;
	vm8 =	vmand vm8, vm9;
	vm9 =	vmand vm2, vm14  }
0x2b: {  	v60 =	vnsel vm9, $0xFFFFFFFF, v5;
	vm9 =	vmand vm15, vm12  }
0x2c: {  	vm8 =	vmand vm3, vm8;
	vm13 =	vgt.s32 v60, v1;
	vm9 =	vmand vm1, vm9  }
0x2d: {  	vm14 =	veq.s32 v7, v6;
	v7 =	vld.idx.msk [tilespmem:v0+s24+$0x0], $0xffff;
	v61 =	vsel vm13, v60, v1;
	vm15 =	veq.s32 v8, $0x1  }
0x2e: {  	v62 =	vnsel vm9, $0xFFFFFFFF, v4;
	v8 =	vsel vm8, v61, v60;
	vm8 =	vmand vm14, vm15  }
0x2f: {  	vm9 =	vgt.s32 v8, v62;
	vm8 =	vmand vm0, vm8  }
0x30: {  	v8 =	vsel vm9, v8, v62;
	v63 =	vnsel vm8, $0xFFFFFFFF, v3  }
0x31: {  	vm8 =	vgt.s32 v8, v63  }
0x32: {  	v8 =	vsel vm8, v8, v63;
	v7 =	vxor.u32 $0x80000000, v7  }
0x33: {  	(xrf0) =	vmax.scan.msk.u32 $0xffff, v7;
	v7 =	vxor.u32 $0x80000000, v8  }
0x34: {  	(xrf0) =	vmax.scan.msk.u32 $0xffff, v7;
	_ =	sdelay $0x4  }
0x35: {  	v7, _, _ =	vpop (xrf0)  }
0x36: {  	(v2sf) =	vpush v7, $0xF;
	v7, _, _ =	vpop (xrf0)  }
0x37: {  	(v2sf) =	vpush v7, $0xF;
	_ =	sdelay $0xd  }
0x38: {  	s1 =	spop (v2sf)  }
0x39: {  	s0 =	spop (v2sf);
	p0 =	sne.s32 s1, $0x80000001  }
0x3a: {  	p1 =	slt.s32 @!p0 s0, $0x0  }
0x3b: {  	p1 =	por p0, p1  }
.Ltmp0:
0x3c: {  	_ = 	snop;
	(pc) =	sbr.rel @p1 .LBB2_11-.Ltmp0, $1  }
0x3d: {  	_ =	sdelay $0x3  }
0x3e: {  	v6 =	vxor.u32 $0x80000000, v6  }
0x3f: {  	(xrf0) =	vmax.scan.msk.u32 $0xffff, v6;
	_ =	sdelay $0x5  }
0x40: {  	v6, _, _ =	vpop (xrf0)  }
0x41: {  	(v2sf) =	vpush v6, $0xF;
	_ =	sdelay $0xe  }
0x42: {  	s0 =	spop (v2sf)  }
0x43: {  	s1 =	sshll.u32 s0, $0xE;
	s0 =	sshll.u32 s0, $0x7  }
0x44: {  	s1 =	sand.u32 $0xFFFE0000, s1;
	s0 =	sand.u32 $0x380, s0  }
0x45: {  	s0 =	sor.u32 s0, s1  }
0x46: {  	s0 =	sshrl.u32 s0, $0x3  }
0x47: {  	s14 =	simm.s32 $0x80;
	s6 =	sadd.s32 s2, s0  }
0x48: {  	s7 =	simm.s32 $0x200;
	s1 =	simm.s32 $0x100;
	s3 =	sadd.s32 $0x0, s6  }
.LBB2_3:
0x49: {  	[tilespmem:s1], [sflag:$0x1] =	stream.linear.gather [hbm4b:s3+s5], $0x80, $0x38;
	[tilespmem:$0x8100] =	vst v63  }
0x4a: {  	s3 =	smov.u32 s14;
	s1 =	smov.u32 s7;
	p0 =	sne.s32 s14, $0xF80  }
.Ltmp1:
0x4b: {  	s14 =	sadd.s32 $0x80, s14;
	(pc) =	sbr.rel @p0 .LBB2_3-.Ltmp1, $2  }
0x4c: {  	_ =	sdelay $0x2  }
0x4d: {  	s7 =	sadd.s32 $0x100, s7;
	s3 =	sadd.s32 s3, s6  }
0x4e: {  	[tilespmem:s1], [sflag:$0x1] =	stream.linear.gather [hbm4b:s3+s5], $0x80, $0x38;
	[tilespmem:$0x8100] =	vst v63  }
0x4f: {  	s6 =	sadd.s32 s0, s8;
	s1 =	simm.s32 $0x2100  }
0x50: {  	s14 =	simm.s32 $0x80;
	s7 =	simm.s32 $0x2200;
	s3 =	sadd.s32 $0x0, s6  }
.LBB2_5:
0x51: {  	[tilespmem:s1], [sflag:$0x1] =	stream.linear.gather [hbm4b:s3+s5], $0x80, $0x38;
	[tilespmem:$0x8100] =	vst v63  }
0x52: {  	s3 =	smov.u32 s14;
	s1 =	smov.u32 s7;
	p0 =	sne.s32 s14, $0xF80  }
.Ltmp2:
0x53: {  	s14 =	sadd.s32 $0x80, s14;
	(pc) =	sbr.rel @p0 .LBB2_5-.Ltmp2, $2  }
0x54: {  	_ =	sdelay $0x2  }
0x55: {  	s7 =	sadd.s32 $0x100, s7;
	s3 =	sadd.s32 s3, s6  }
0x56: {  	[tilespmem:s1], [sflag:$0x1] =	stream.linear.gather [hbm4b:s3+s5], $0x80, $0x38;
	[tilespmem:$0x8100] =	vst v63  }
0x57: {  	s6 =	sadd.s32 s0, s9;
	s1 =	simm.s32 $0x4100  }
0x58: {  	s14 =	simm.s32 $0x80;
	s7 =	simm.s32 $0x4200;
	s3 =	sadd.s32 $0x0, s6  }
.LBB2_7:
0x59: {  	[tilespmem:s1], [sflag:$0x1] =	stream.linear.gather [hbm4b:s3+s5], $0x80, $0x38;
	[tilespmem:$0x8100] =	vst v63  }
0x5a: {  	s3 =	smov.u32 s14;
	s1 =	smov.u32 s7;
	p0 =	sne.s32 s14, $0xF80  }
.Ltmp3:
0x5b: {  	s14 =	sadd.s32 $0x80, s14;
	(pc) =	sbr.rel @p0 .LBB2_7-.Ltmp3, $2  }
0x5c: {  	_ =	sdelay $0x2  }
0x5d: {  	s7 =	sadd.s32 $0x100, s7;
	s3 =	sadd.s32 s3, s6  }
0x5e: {  	[tilespmem:s1], [sflag:$0x1] =	stream.linear.gather [hbm4b:s3+s5], $0x80, $0x38;
	[tilespmem:$0x8100] =	vst v63  }
0x5f: {  	s0 =	sadd.s32 s0, s10;
	s1 =	simm.s32 $0x6100  }
0x60: {  	s6 =	simm.s32 $0x80;
	s7 =	simm.s32 $0x6200;
	s3 =	sadd.s32 $0x0, s0  }
.LBB2_9:
0x61: {  	[tilespmem:s1], [sflag:$0x1] =	stream.linear.gather [hbm4b:s3+s5], $0x80, $0x38;
	[tilespmem:$0x8100] =	vst v63  }
0x62: {  	s3 =	smov.u32 s6;
	s1 =	smov.u32 s7;
	p0 =	seq.s32 s6, $0xF80  }
.Ltmp4:
0x63: {  	s6 =	sadd.s32 $0x80, s6;
	(pc) =	sbr.rel @!p0 .LBB2_9-.Ltmp4, $2  }
0x64: {  	_ =	sdelay $0x2  }
0x65: {  	s7 =	sadd.s32 $0x100, s7;
	s3 =	sadd.s32 s3, s0  }
.Ltmp5:
0x66: {  	(pc) =	sbr.rel .LBB2_20-.Ltmp5, $2  }
0x67: {  	_ =	sdelay $0x2  }
0x68: {  	[tilespmem:s1], [sflag:$0x1] =	stream.linear.gather [hbm4b:s3+s5], $0x80, $0x38;
	[tilespmem:$0x8100] =	vst v63  }
.LBB2_11:
0x69: {  	s0 =	sxor.u32 $0x80000000, s0  }
0x6a: {  	p1 =	sgt.s32 s0, $0x0  }
0x6b: {  	s1 =	rddreg [dreg:$0x6];
	s0 =	simm.s32 @!p1 $0x0  }
0x6c: {  	s0 =	smov.u32 @p0 s1  }
0x6d: {  	s1 =	sshll.u32 s0, $0xE;
	s0 =	sshll.u32 s0, $0x7  }
0x6e: {  	s1 =	sand.u32 $0xFFFE0000, s1;
	s0 =	sand.u32 $0x380, s0  }
0x6f: {  	s0 =	sor.u32 s0, s1  }
0x70: {  	s14 =	rddreg [dreg:$0x0];
	s0 =	sshrl.u32 s0, $0x3  }
0x71: {  	s7 =	simm.s32 $0x200;
	s6 =	sadd.s32 s14, s0  }
0x72: {  	s1 =	simm.s32 $0x100;
	s14 =	simm.s32 $0x80;
	s3 =	sadd.s32 $0x0, s6  }
.LBB2_12:
0x73: {  	[tilespmem:s1], [sflag:$0x1] =	stream.linear.gather [hbm4b:s3+s5], $0x80, $0x38;
	[tilespmem:$0x8100] =	vst v63  }
0x74: {  	s3 =	smov.u32 s14;
	s1 =	smov.u32 s7;
	p0 =	sne.s32 s14, $0xF80  }
.Ltmp6:
0x75: {  	s14 =	sadd.s32 $0x80, s14;
	(pc) =	sbr.rel @p0 .LBB2_12-.Ltmp6, $2  }
0x76: {  	_ =	sdelay $0x2  }
0x77: {  	s7 =	sadd.s32 $0x100, s7;
	s3 =	sadd.s32 s3, s6  }
0x78: {  	[tilespmem:s1], [sflag:$0x1] =	stream.linear.gather [hbm4b:s3+s5], $0x80, $0x38;
	[tilespmem:$0x8100] =	vst v63  }
0x79: {  	s6 =	sadd.s32 s0, s11;
	s1 =	simm.s32 $0x2100  }
0x7a: {  	s14 =	simm.s32 $0x80;
	s7 =	simm.s32 $0x2200;
	s3 =	sadd.s32 $0x0, s6  }
.LBB2_14:
0x7b: {  	[tilespmem:s1], [sflag:$0x1] =	stream.linear.gather [hbm4b:s3+s5], $0x80, $0x38;
	[tilespmem:$0x8100] =	vst v63  }
0x7c: {  	s3 =	smov.u32 s14;
	s1 =	smov.u32 s7;
	p0 =	sne.s32 s14, $0xF80  }
.Ltmp7:
0x7d: {  	s14 =	sadd.s32 $0x80, s14;
	(pc) =	sbr.rel @p0 .LBB2_14-.Ltmp7, $2  }
0x7e: {  	_ =	sdelay $0x2  }
0x7f: {  	s7 =	sadd.s32 $0x100, s7;
	s3 =	sadd.s32 s3, s6  }
0x80: {  	[tilespmem:s1], [sflag:$0x1] =	stream.linear.gather [hbm4b:s3+s5], $0x80, $0x38;
	[tilespmem:$0x8100] =	vst v63  }
0x81: {  	s6 =	sadd.s32 s0, s12;
	s1 =	simm.s32 $0x4100  }
0x82: {  	s14 =	simm.s32 $0x80;
	s7 =	simm.s32 $0x4200;
	s3 =	sadd.s32 $0x0, s6  }
.LBB2_16:
0x83: {  	[tilespmem:s1], [sflag:$0x1] =	stream.linear.gather [hbm4b:s3+s5], $0x80, $0x38;
	[tilespmem:$0x8100] =	vst v63  }
0x84: {  	s3 =	smov.u32 s14;
	s1 =	smov.u32 s7;
	p0 =	sne.s32 s14, $0xF80  }
.Ltmp8:
0x85: {  	s14 =	sadd.s32 $0x80, s14;
	(pc) =	sbr.rel @p0 .LBB2_16-.Ltmp8, $2  }
0x86: {  	_ =	sdelay $0x2  }
0x87: {  	s7 =	sadd.s32 $0x100, s7;
	s3 =	sadd.s32 s3, s6  }
0x88: {  	[tilespmem:s1], [sflag:$0x1] =	stream.linear.gather [hbm4b:s3+s5], $0x80, $0x38;
	[tilespmem:$0x8100] =	vst v63  }
0x89: {  	s0 =	sadd.s32 s0, s13;
	s1 =	simm.s32 $0x6100  }
0x8a: {  	s6 =	simm.s32 $0x80;
	s7 =	simm.s32 $0x6200;
	s3 =	sadd.s32 $0x0, s0  }
.LBB2_18:
0x8b: {  	[tilespmem:s1], [sflag:$0x1] =	stream.linear.gather [hbm4b:s3+s5], $0x80, $0x38;
	[tilespmem:$0x8100] =	vst v63  }
0x8c: {  	s3 =	smov.u32 s6;
	s1 =	smov.u32 s7;
	p0 =	sne.s32 s6, $0xF80  }
.Ltmp9:
0x8d: {  	s6 =	sadd.s32 $0x80, s6;
	(pc) =	sbr.rel @p0 .LBB2_18-.Ltmp9, $2  }
0x8e: {  	_ =	sdelay $0x2  }
0x8f: {  	s7 =	sadd.s32 $0x100, s7;
	s3 =	sadd.s32 s3, s0  }
0x90: {  	[tilespmem:s1], [sflag:$0x1] =	stream.linear.gather [hbm4b:s3+s5], $0x80, $0x38;
	[tilespmem:$0x8100] =	vst v63  }
.LBB2_20:
0x91: {  	_ =	sdelay $0x3  }
0x92: {  	v6 =	vld.idx.msk [tilespmem:v2+s5+$0x0], $0xffff  }
0x93: {  	v7 =	vld [tilespmem:$0x0]  }
0x94: {  	v8 =	vld [tilespmem:$0x80]  }
0x95: {  	v9 =	vld [tilespmem:$0x10]  }
0x96: {  	v10 =	vld [tilespmem:$0x90]  }
0x97: {  	v11 =	vld [tilespmem:$0x20]  }
0x98: {  	v12 =	vld [tilespmem:$0xA0];
	_ =	sdelay $0x1  }
0x99: {  	vm8 =	veq.s32 v7, v6;
	v7 =	vld [tilespmem:$0x30]  }
0x9a: {  	vm9 =	veq.s32 v8, $0x1;
	vm10 =	veq.s32 v9, v6;
	vm11 =	veq.s32 v10, $0x1;
	v8 =	vld [tilespmem:$0xB0]  }
0x9b: {  	vm15 =	veq.s32 v11, v6;
	vm14 =	vmand vm10, vm11  }
0x9c: {  	vm12 =	veq.s32 v12, $0x1;
	vm8 =	vmand vm8, vm9;
	vm9 =	vmand vm6, vm14  }
0x9d: {  	v60 =	vnsel vm9, $0xFFFFFFFF, v5;
	vm9 =	vmand vm15, vm12  }
0x9e: {  	vm8 =	vmand vm7, vm8;
	vm13 =	vgt.s32 v60, v1;
	vm9 =	vmand vm5, vm9  }
0x9f: {  	vm14 =	veq.s32 v7, v6;
	v7 =	vld.idx.msk [tilespmem:v2+s24+$0x0], $0xffff;
	v61 =	vsel vm13, v60, v1;
	vm15 =	veq.s32 v8, $0x1  }
0xa0: {  	v62 =	vnsel vm9, $0xFFFFFFFF, v4;
	v8 =	vsel vm8, v61, v60;
	vm8 =	vmand vm14, vm15  }
0xa1: {  	vm9 =	vgt.s32 v8, v62;
	vm8 =	vmand vm4, vm8  }
0xa2: {  	v8 =	vsel vm9, v8, v62;
	v63 =	vnsel vm8, $0xFFFFFFFF, v3  }
0xa3: {  	vm8 =	vgt.s32 v8, v63  }
0xa4: {  	v8 =	vsel vm8, v8, v63;
	v7 =	vxor.u32 $0x80000000, v7  }
0xa5: {  	(xrf0) =	vmax.scan.msk.u32 $0xffff, v7;
	v7 =	vxor.u32 $0x80000000, v8  }
0xa6: {  	(xrf0) =	vmax.scan.msk.u32 $0xffff, v7;
	_ =	sdelay $0x4  }
0xa7: {  	v7, _, _ =	vpop (xrf0)  }
0xa8: {  	(v2sf) =	vpush v7, $0xF;
	v7, _, _ =	vpop (xrf0)  }
0xa9: {  	(v2sf) =	vpush v7, $0xF;
	_ =	sdelay $0xd  }
0xaa: {  	s1 =	spop (v2sf)  }
0xab: {  	s0 =	spop (v2sf);
	p0 =	sne.s32 s1, $0x80000001  }
0xac: {  	p1 =	slt.s32 @!p0 s0, $0x0  }
0xad: {  	p1 =	por p0, p1  }
.Ltmp10:
0xae: {  	_ = 	snop;
	(pc) =	sbr.rel @p1 .LBB2_30-.Ltmp10, $1  }
0xaf: {  	_ =	sdelay $0x3  }
0xb0: {  	v6 =	vxor.u32 $0x80000000, v6  }
0xb1: {  	(xrf0) =	vmax.scan.msk.u32 $0xffff, v6;
	_ =	sdelay $0x5  }
0xb2: {  	v6, _, _ =	vpop (xrf0)  }
0xb3: {  	(v2sf) =	vpush v6, $0xF;
	_ =	sdelay $0xe  }
0xb4: {  	s0 =	spop (v2sf)  }
0xb5: {  	s1 =	sshll.u32 s0, $0xE;
	s0 =	sshll.u32 s0, $0x7  }
0xb6: {  	s1 =	sand.u32 $0xFFFE0000, s1;
	s0 =	sand.u32 $0x380, s0  }
0xb7: {  	s0 =	sor.u32 s0, s1  }
0xb8: {  	s0 =	sshrl.u32 s0, $0x3  }
0xb9: {  	s14 =	simm.s32 $0x80;
	s6 =	sadd.s32 s2, s0  }
0xba: {  	s7 =	simm.s32 $0x280;
	s1 =	simm.s32 $0x180;
	s3 =	sadd.s32 $0x0, s6  }
.LBB2_22:
0xbb: {  	[tilespmem:s1], [sflag:$0x2] =	stream.linear.gather [hbm4b:s3+s5], $0x80, $0x38;
	[tilespmem:$0x8100] =	vst v63  }
0xbc: {  	s3 =	smov.u32 s14;
	s1 =	smov.u32 s7;
	p0 =	sne.s32 s14, $0xF80  }
.Ltmp11:
0xbd: {  	s14 =	sadd.s32 $0x80, s14;
	(pc) =	sbr.rel @p0 .LBB2_22-.Ltmp11, $2  }
0xbe: {  	_ =	sdelay $0x2  }
0xbf: {  	s7 =	sadd.s32 $0x100, s7;
	s3 =	sadd.s32 s3, s6  }
0xc0: {  	[tilespmem:s1], [sflag:$0x2] =	stream.linear.gather [hbm4b:s3+s5], $0x80, $0x38;
	[tilespmem:$0x8100] =	vst v63  }
0xc1: {  	s6 =	sadd.s32 s0, s8;
	s1 =	simm.s32 $0x2180  }
0xc2: {  	s14 =	simm.s32 $0x80;
	s7 =	simm.s32 $0x2280;
	s3 =	sadd.s32 $0x0, s6  }
.LBB2_24:
0xc3: {  	[tilespmem:s1], [sflag:$0x2] =	stream.linear.gather [hbm4b:s3+s5], $0x80, $0x38;
	[tilespmem:$0x8100] =	vst v63  }
0xc4: {  	s3 =	smov.u32 s14;
	s1 =	smov.u32 s7;
	p0 =	sne.s32 s14, $0xF80  }
.Ltmp12:
0xc5: {  	s14 =	sadd.s32 $0x80, s14;
	(pc) =	sbr.rel @p0 .LBB2_24-.Ltmp12, $2  }
0xc6: {  	_ =	sdelay $0x2  }
0xc7: {  	s7 =	sadd.s32 $0x100, s7;
	s3 =	sadd.s32 s3, s6  }
0xc8: {  	[tilespmem:s1], [sflag:$0x2] =	stream.linear.gather [hbm4b:s3+s5], $0x80, $0x38;
	[tilespmem:$0x8100] =	vst v63  }
0xc9: {  	s6 =	sadd.s32 s0, s9;
	s1 =	simm.s32 $0x4180  }
0xca: {  	s14 =	simm.s32 $0x80;
	s7 =	simm.s32 $0x4280;
	s3 =	sadd.s32 $0x0, s6  }
.LBB2_26:
0xcb: {  	[tilespmem:s1], [sflag:$0x2] =	stream.linear.gather [hbm4b:s3+s5], $0x80, $0x38;
	[tilespmem:$0x8100] =	vst v63  }
0xcc: {  	s3 =	smov.u32 s14;
	s1 =	smov.u32 s7;
	p0 =	sne.s32 s14, $0xF80  }
.Ltmp13:
0xcd: {  	s14 =	sadd.s32 $0x80, s14;
	(pc) =	sbr.rel @p0 .LBB2_26-.Ltmp13, $2  }
0xce: {  	_ =	sdelay $0x2  }
0xcf: {  	s7 =	sadd.s32 $0x100, s7;
	s3 =	sadd.s32 s3, s6  }
0xd0: {  	[tilespmem:s1], [sflag:$0x2] =	stream.linear.gather [hbm4b:s3+s5], $0x80, $0x38;
	[tilespmem:$0x8100] =	vst v63  }
0xd1: {  	s0 =	sadd.s32 s0, s10;
	s1 =	simm.s32 $0x6180  }
0xd2: {  	s6 =	simm.s32 $0x80;
	s7 =	simm.s32 $0x6280;
	s3 =	sadd.s32 $0x0, s0  }
.LBB2_28:
0xd3: {  	[tilespmem:s1], [sflag:$0x2] =	stream.linear.gather [hbm4b:s3+s5], $0x80, $0x38;
	[tilespmem:$0x8100] =	vst v63  }
0xd4: {  	s3 =	smov.u32 s6;
	s1 =	smov.u32 s7;
	p0 =	seq.s32 s6, $0xF80  }
.Ltmp14:
0xd5: {  	s6 =	sadd.s32 $0x80, s6;
	(pc) =	sbr.rel @!p0 .LBB2_28-.Ltmp14, $2  }
0xd6: {  	_ =	sdelay $0x2  }
0xd7: {  	s7 =	sadd.s32 $0x100, s7;
	s3 =	sadd.s32 s3, s0  }
.Ltmp15:
0xd8: {  	(pc) =	sbr.rel .LBB2_39-.Ltmp15, $2  }
0xd9: {  	_ =	sdelay $0x2  }
0xda: {  	[tilespmem:s1], [sflag:$0x2] =	stream.linear.gather [hbm4b:s3+s5], $0x80, $0x38;
	[tilespmem:$0x8100] =	vst v63  }
.LBB2_30:
0xdb: {  	s0 =	sxor.u32 $0x80000000, s0  }
0xdc: {  	p1 =	sgt.s32 s0, $0x0  }
0xdd: {  	s1 =	rddreg [dreg:$0x7];
	s0 =	simm.s32 @!p1 $0x0  }
0xde: {  	s0 =	smov.u32 @p0 s1  }
0xdf: {  	s1 =	sshll.u32 s0, $0xE;
	s0 =	sshll.u32 s0, $0x7  }
0xe0: {  	s1 =	sand.u32 $0xFFFE0000, s1;
	s0 =	sand.u32 $0x380, s0  }
0xe1: {  	s0 =	sor.u32 s0, s1  }
0xe2: {  	s14 =	rddreg [dreg:$0x0];
	s0 =	sshrl.u32 s0, $0x3  }
0xe3: {  	s7 =	simm.s32 $0x280;
	s6 =	sadd.s32 s14, s0  }
0xe4: {  	s1 =	simm.s32 $0x180;
	s14 =	simm.s32 $0x80;
	s3 =	sadd.s32 $0x0, s6  }
.LBB2_31:
0xe5: {  	[tilespmem:s1], [sflag:$0x2] =	stream.linear.gather [hbm4b:s3+s5], $0x80, $0x38;
	[tilespmem:$0x8100] =	vst v63  }
0xe6: {  	s3 =	smov.u32 s14;
	s1 =	smov.u32 s7;
	p0 =	sne.s32 s14, $0xF80  }
.Ltmp16:
0xe7: {  	s14 =	sadd.s32 $0x80, s14;
	(pc) =	sbr.rel @p0 .LBB2_31-.Ltmp16, $2  }
0xe8: {  	_ =	sdelay $0x2  }
0xe9: {  	s7 =	sadd.s32 $0x100, s7;
	s3 =	sadd.s32 s3, s6  }
0xea: {  	[tilespmem:s1], [sflag:$0x2] =	stream.linear.gather [hbm4b:s3+s5], $0x80, $0x38;
	[tilespmem:$0x8100] =	vst v63  }
0xeb: {  	s6 =	sadd.s32 s0, s11;
	s1 =	simm.s32 $0x2180  }
0xec: {  	s14 =	simm.s32 $0x80;
	s7 =	simm.s32 $0x2280;
	s3 =	sadd.s32 $0x0, s6  }
.LBB2_33:
0xed: {  	[tilespmem:s1], [sflag:$0x2] =	stream.linear.gather [hbm4b:s3+s5], $0x80, $0x38;
	[tilespmem:$0x8100] =	vst v63  }
0xee: {  	s3 =	smov.u32 s14;
	s1 =	smov.u32 s7;
	p0 =	sne.s32 s14, $0xF80  }
.Ltmp17:
0xef: {  	s14 =	sadd.s32 $0x80, s14;
	(pc) =	sbr.rel @p0 .LBB2_33-.Ltmp17, $2  }
0xf0: {  	_ =	sdelay $0x2  }
0xf1: {  	s7 =	sadd.s32 $0x100, s7;
	s3 =	sadd.s32 s3, s6  }
0xf2: {  	[tilespmem:s1], [sflag:$0x2] =	stream.linear.gather [hbm4b:s3+s5], $0x80, $0x38;
	[tilespmem:$0x8100] =	vst v63  }
0xf3: {  	s6 =	sadd.s32 s0, s12;
	s1 =	simm.s32 $0x4180  }
0xf4: {  	s14 =	simm.s32 $0x80;
	s7 =	simm.s32 $0x4280;
	s3 =	sadd.s32 $0x0, s6  }
.LBB2_35:
0xf5: {  	[tilespmem:s1], [sflag:$0x2] =	stream.linear.gather [hbm4b:s3+s5], $0x80, $0x38;
	[tilespmem:$0x8100] =	vst v63  }
0xf6: {  	s3 =	smov.u32 s14;
	s1 =	smov.u32 s7;
	p0 =	sne.s32 s14, $0xF80  }
.Ltmp18:
0xf7: {  	s14 =	sadd.s32 $0x80, s14;
	(pc) =	sbr.rel @p0 .LBB2_35-.Ltmp18, $2  }
0xf8: {  	_ =	sdelay $0x2  }
0xf9: {  	s7 =	sadd.s32 $0x100, s7;
	s3 =	sadd.s32 s3, s6  }
0xfa: {  	[tilespmem:s1], [sflag:$0x2] =	stream.linear.gather [hbm4b:s3+s5], $0x80, $0x38;
	[tilespmem:$0x8100] =	vst v63  }
0xfb: {  	s0 =	sadd.s32 s0, s13;
	s1 =	simm.s32 $0x6180  }
0xfc: {  	s6 =	simm.s32 $0x80;
	s7 =	simm.s32 $0x6280;
	s3 =	sadd.s32 $0x0, s0  }
.LBB2_37:
0xfd: {  	[tilespmem:s1], [sflag:$0x2] =	stream.linear.gather [hbm4b:s3+s5], $0x80, $0x38;
	[tilespmem:$0x8100] =	vst v63  }
0xfe: {  	s3 =	smov.u32 s6;
	s1 =	smov.u32 s7;
	p0 =	sne.s32 s6, $0xF80  }
.Ltmp19:
0xff: {  	s6 =	sadd.s32 $0x80, s6;
	(pc) =	sbr.rel @p0 .LBB2_37-.Ltmp19, $2  }
0x100: {  	_ =	sdelay $0x2  }
0x101: {  	s7 =	sadd.s32 $0x100, s7;
	s3 =	sadd.s32 s3, s0  }
0x102: {  	[tilespmem:s1], [sflag:$0x2] =	stream.linear.gather [hbm4b:s3+s5], $0x80, $0x38;
	[tilespmem:$0x8100] =	vst v63  }
.LBB2_39:
0x103: {  	_ =	swait.ge [sflag:s26], $0x1000  }
0x104: {  	s0 =	simm.s32 $0x100;
	s1 =	simm.s32 $0x80;
	[sflag:s26] =	ssyncset.done $0x0  }
0x105: {  	s3 =	sadd.s32 $0x0, s15;
	s6 =	simm.s32 $0x200;
	[sflag:s26] =	ssyncadd.s32 $0xFFFFF000  }
.LBB2_40:
0x106: {  	[hbm4b:s3+s5] =	stream.linear.scatter [tilespmem:s0], [sflag:$0x3], $0x80, $0x38;
	[tilespmem:$0x8100] =	vst v63  }
0x107: {  	s3 =	smov.u32 s1;
	s0 =	smov.u32 s6;
	p0 =	sne.s32 s1, $0xF80  }
.Ltmp20:
0x108: {  	s1 =	sadd.s32 $0x80, s1;
	(pc) =	sbr.rel @p0 .LBB2_40-.Ltmp20, $2  }
0x109: {  	_ =	sdelay $0x2  }
0x10a: {  	s6 =	sadd.s32 $0x100, s6;
	s3 =	sadd.s32 s3, s15  }
0x10b: {  	[hbm4b:s3+s5] =	stream.linear.scatter [tilespmem:s0], [sflag:$0x3], $0x80, $0x38;
	[tilespmem:$0x8100] =	vst v63  }
0x10c: {  	_ =	swait.ge [sflag:s26], $0x1000  }
0x10d: {  	s0 =	simm.s32 $0x2100;
	s1 =	simm.s32 $0x80;
	[sflag:s26] =	ssyncset.done $0x0  }
0x10e: {  	s3 =	sadd.s32 $0x0, s16;
	s6 =	simm.s32 $0x2200;
	[sflag:s26] =	ssyncadd.s32 $0xFFFFF000  }
.LBB2_42:
0x10f: {  	[hbm4b:s3+s5] =	stream.linear.scatter [tilespmem:s0], [sflag:$0x3], $0x80, $0x38;
	[tilespmem:$0x8100] =	vst v63  }
0x110: {  	s3 =	smov.u32 s1;
	s0 =	smov.u32 s6;
	p0 =	sne.s32 s1, $0xF80  }
.Ltmp21:
0x111: {  	s1 =	sadd.s32 $0x80, s1;
	(pc) =	sbr.rel @p0 .LBB2_42-.Ltmp21, $2  }
0x112: {  	_ =	sdelay $0x2  }
0x113: {  	s6 =	sadd.s32 $0x100, s6;
	s3 =	sadd.s32 s3, s16  }
0x114: {  	[hbm4b:s3+s5] =	stream.linear.scatter [tilespmem:s0], [sflag:$0x3], $0x80, $0x38;
	[tilespmem:$0x8100] =	vst v63  }
0x115: {  	_ =	swait.ge [sflag:s26], $0x1000  }
0x116: {  	s0 =	simm.s32 $0x4100;
	s1 =	simm.s32 $0x80;
	[sflag:s26] =	ssyncset.done $0x0  }
0x117: {  	s3 =	sadd.s32 $0x0, s17;
	s6 =	simm.s32 $0x4200;
	[sflag:s26] =	ssyncadd.s32 $0xFFFFF000  }
.LBB2_44:
0x118: {  	[hbm4b:s3+s5] =	stream.linear.scatter [tilespmem:s0], [sflag:$0x3], $0x80, $0x38;
	[tilespmem:$0x8100] =	vst v63  }
0x119: {  	s3 =	smov.u32 s1;
	s0 =	smov.u32 s6;
	p0 =	sne.s32 s1, $0xF80  }
.Ltmp22:
0x11a: {  	s1 =	sadd.s32 $0x80, s1;
	(pc) =	sbr.rel @p0 .LBB2_44-.Ltmp22, $2  }
0x11b: {  	_ =	sdelay $0x2  }
0x11c: {  	s6 =	sadd.s32 $0x100, s6;
	s3 =	sadd.s32 s3, s17  }
0x11d: {  	[hbm4b:s3+s5] =	stream.linear.scatter [tilespmem:s0], [sflag:$0x3], $0x80, $0x38;
	[tilespmem:$0x8100] =	vst v63  }
0x11e: {  	_ =	swait.ge [sflag:s26], $0x1000  }
0x11f: {  	s0 =	simm.s32 $0x6100;
	s1 =	simm.s32 $0x80;
	[sflag:s26] =	ssyncset.done $0x0  }
0x120: {  	s3 =	sadd.s32 $0x0, s18;
	s6 =	simm.s32 $0x6200;
	[sflag:s26] =	ssyncadd.s32 $0xFFFFF000  }
.LBB2_46:
0x121: {  	[hbm4b:s3+s5] =	stream.linear.scatter [tilespmem:s0], [sflag:$0x3], $0x80, $0x38;
	[tilespmem:$0x8100] =	vst v63  }
0x122: {  	s3 =	smov.u32 s1;
	s0 =	smov.u32 s6;
	p0 =	sne.s32 s1, $0xF80  }
.Ltmp23:
0x123: {  	s1 =	sadd.s32 $0x80, s1;
	(pc) =	sbr.rel @p0 .LBB2_46-.Ltmp23, $2  }
0x124: {  	_ =	sdelay $0x2  }
0x125: {  	s6 =	sadd.s32 $0x100, s6;
	s3 =	sadd.s32 s3, s18  }
0x126: {  	[hbm4b:s3+s5] =	stream.linear.scatter [tilespmem:s0], [sflag:$0x3], $0x80, $0x38;
	[tilespmem:$0x8100] =	vst v63  }
0x127: {  	_ =	swait.ge [sflag:s28], $0x1000  }
0x128: {  	s0 =	simm.s32 $0x180;
	s1 =	simm.s32 $0x80;
	[sflag:s28] =	ssyncset.done $0x0  }
0x129: {  	s3 =	sadd.s32 $0x0, s19;
	s6 =	simm.s32 $0x280;
	[sflag:s28] =	ssyncadd.s32 $0xFFFFF000  }
.LBB2_48:
0x12a: {  	[hbm4b:s3+s5] =	stream.linear.scatter [tilespmem:s0], [sflag:$0x4], $0x80, $0x38;
	[tilespmem:$0x8100] =	vst v63  }
0x12b: {  	s3 =	smov.u32 s1;
	s0 =	smov.u32 s6;
	p0 =	sne.s32 s1, $0xF80  }
.Ltmp24:
0x12c: {  	s1 =	sadd.s32 $0x80, s1;
	(pc) =	sbr.rel @p0 .LBB2_48-.Ltmp24, $2  }
0x12d: {  	_ =	sdelay $0x2  }
0x12e: {  	s6 =	sadd.s32 $0x100, s6;
	s3 =	sadd.s32 s3, s19  }
0x12f: {  	[hbm4b:s3+s5] =	stream.linear.scatter [tilespmem:s0], [sflag:$0x4], $0x80, $0x38;
	[tilespmem:$0x8100] =	vst v63  }
0x130: {  	_ =	swait.ge [sflag:s28], $0x1000  }
0x131: {  	s0 =	simm.s32 $0x2180;
	s1 =	simm.s32 $0x80;
	[sflag:s28] =	ssyncset.done $0x0  }
0x132: {  	s3 =	sadd.s32 $0x0, s20;
	s6 =	simm.s32 $0x2280;
	[sflag:s28] =	ssyncadd.s32 $0xFFFFF000  }
.LBB2_50:
0x133: {  	[hbm4b:s3+s5] =	stream.linear.scatter [tilespmem:s0], [sflag:$0x4], $0x80, $0x38;
	[tilespmem:$0x8100] =	vst v63  }
0x134: {  	s3 =	smov.u32 s1;
	s0 =	smov.u32 s6;
	p0 =	sne.s32 s1, $0xF80  }
.Ltmp25:
0x135: {  	s1 =	sadd.s32 $0x80, s1;
	(pc) =	sbr.rel @p0 .LBB2_50-.Ltmp25, $2  }
0x136: {  	_ =	sdelay $0x2  }
0x137: {  	s6 =	sadd.s32 $0x100, s6;
	s3 =	sadd.s32 s3, s20  }
0x138: {  	[hbm4b:s3+s5] =	stream.linear.scatter [tilespmem:s0], [sflag:$0x4], $0x80, $0x38;
	[tilespmem:$0x8100] =	vst v63  }
0x139: {  	_ =	swait.ge [sflag:s28], $0x1000  }
0x13a: {  	s0 =	simm.s32 $0x4180;
	s1 =	simm.s32 $0x80;
	[sflag:s28] =	ssyncset.done $0x0  }
0x13b: {  	s3 =	sadd.s32 $0x0, s21;
	s6 =	simm.s32 $0x4280;
	[sflag:s28] =	ssyncadd.s32 $0xFFFFF000  }
.LBB2_52:
0x13c: {  	[hbm4b:s3+s5] =	stream.linear.scatter [tilespmem:s0], [sflag:$0x4], $0x80, $0x38;
	[tilespmem:$0x8100] =	vst v63  }
0x13d: {  	s3 =	smov.u32 s1;
	s0 =	smov.u32 s6;
	p0 =	sne.s32 s1, $0xF80  }
.Ltmp26:
0x13e: {  	s1 =	sadd.s32 $0x80, s1;
	(pc) =	sbr.rel @p0 .LBB2_52-.Ltmp26, $2  }
0x13f: {  	_ =	sdelay $0x2  }
0x140: {  	s6 =	sadd.s32 $0x100, s6;
	s3 =	sadd.s32 s3, s21  }
0x141: {  	[hbm4b:s3+s5] =	stream.linear.scatter [tilespmem:s0], [sflag:$0x4], $0x80, $0x38;
	[tilespmem:$0x8100] =	vst v63  }
0x142: {  	_ =	swait.ge [sflag:s28], $0x1000  }
0x143: {  	s0 =	simm.s32 $0x6180;
	s1 =	simm.s32 $0x80;
	[sflag:s28] =	ssyncset.done $0x0  }
0x144: {  	s3 =	sadd.s32 $0x0, s22;
	s6 =	simm.s32 $0x6280;
	[sflag:s28] =	ssyncadd.s32 $0xFFFFF000  }
.LBB2_54:
0x145: {  	[hbm4b:s3+s5] =	stream.linear.scatter [tilespmem:s0], [sflag:$0x4], $0x80, $0x38;
	[tilespmem:$0x8100] =	vst v63  }
0x146: {  	s3 =	smov.u32 s1;
	s0 =	smov.u32 s6;
	p0 =	sne.s32 s1, $0xF80  }
.Ltmp27:
0x147: {  	s1 =	sadd.s32 $0x80, s1;
	(pc) =	sbr.rel @p0 .LBB2_54-.Ltmp27, $2  }
0x148: {  	_ =	sdelay $0x2  }
0x149: {  	s6 =	sadd.s32 $0x100, s6;
	s3 =	sadd.s32 s3, s22  }
0x14a: {  	[hbm4b:s3+s5] =	stream.linear.scatter [tilespmem:s0], [sflag:$0x4], $0x80, $0x38;
	[tilespmem:$0x8100] =	vst v63  }
0x14b: {  	_ =	swait.ge [sflag:s29], $0x1000  }
0x14c: {  	[sflag:s29] =	ssyncset.done $0x0  }
0x14d: {  	[sflag:s29] =	ssyncadd.s32 $0xFFFFF000  }
0x14e: {  	_ =	swait.ge [sflag:s29], $0x1000  }
0x14f: {  	[sflag:s29] =	ssyncset.done $0x0  }
0x150: {  	[sflag:s29] =	ssyncadd.s32 $0xFFFFF000  }
0x151: {  	_ =	swait.ge [sflag:s29], $0x1000  }
0x152: {  	[sflag:s29] =	ssyncset.done $0x0  }
0x153: {  	[sflag:s29] =	ssyncadd.s32 $0xFFFFF000  }
0x154: {  	_ =	swait.ge [sflag:s29], $0x1000  }
0x155: {  	[sflag:s29] =	ssyncset.done $0x0  }
0x156: {  	[sflag:s29] =	ssyncadd.s32 $0xFFFFF000  }
0x157: {  	_ =	swait.ge [sflag:s30], $0x1000  }
0x158: {  	[sflag:s30] =	ssyncset.done $0x0  }
0x159: {  	[sflag:s30] =	ssyncadd.s32 $0xFFFFF000  }
0x15a: {  	_ =	swait.ge [sflag:s30], $0x1000  }
0x15b: {  	[sflag:s30] =	ssyncset.done $0x0  }
0x15c: {  	s31 =	sadd.s32 $0x1, s31;
	[sflag:s30] =	ssyncadd.s32 $0xFFFFF000  }
0x15d: {  	p0 =	sne.s32 s31, s23;
	_ =	swait.ge [sflag:s30], $0x1000  }
.Ltmp28:
0x15e: {  	[sflag:s30] =	ssyncset.done $0x0;
	(pc) =	sbr.rel @p0 .LBB2_1-.Ltmp28, $4  }
0x15f: {  	[sflag:s30] =	ssyncadd.s32 $0xFFFFF000  }
0x160: {  	_ =	swait.ge [sflag:s30], $0x1000  }
0x161: {  	[sflag:s30] =	ssyncset.done $0x0  }
0x162: {  	[sflag:s30] =	ssyncadd.s32 $0xFFFFF000  }
0x163: {  	_ =	sfence.sel $0x180000  }
0x164: {  	[bflag:$0x0] =	sbarrier.arrive $0xFFFF  }
0x165: {  	_ =	strace $0x90000047  }
0x166: {  	s0 =	stileid.u32;
	[bflag:$0x2] =	sbarrier.arrive $0xFFFF  }
0x167: {  	p0 =	sne.s32 s0, $0x0;
	s0 =	rddreg [dreg:$0x5]  }
0x168: {  	s0 =	sadd.s32 @!p0 $0x100000, s0  }
0x169: {  	[sflag:s0] =	ssyncadd.tile.s32 @!p0 $0x1;
	_ =	shalt  }
.Lfunc_end2:
_tile_overlayer_lowered:
.L_overlay_start_2:
0x16a: {  	(tag) =	ssettag $0x2  }
0x16b: {  	s0 =	rddreg [dreg:$0x0];
	s2 =	stileid.u32  }
0x16c: {  	s1 =	rddreg [dreg:$0x1];
	p0 =	sne.s32 s2, $0x0  }
0x16d: {  	s3 =	rddreg [dreg:$0x2];
	[bflag:$0x3] =	sbarrier.arrive $0xFFFF;
	s2 =	simm.s32 @!p0 $0x1C06  }
0x16e: {  	[timem:s3], [sflag:s2] =	dma.local @!p0 [hbm:s0], s1  }
0x16f: {  	s0 =	simm.s32 @!p0 $0x6  }
0x170: {  	_ =	swait.ge @!p0 [sflag:s0], s1  }
0x171: {  	s1 =	ssub.s32 @!p0 $0x0, s1;
	[sflag:s0] =	ssyncset.done @!p0 $0x0  }
0x172: {  	[sflag:s0] =	ssyncadd.s32 @!p0 s1  }
0x173: {  	[bflag:$0x3] =	sbarrier.arrive $0xFFFF  }
0x174: {  	_ =	shalt  }

</sc_bundles>
